<compile_context>
chip_gen: v7x
topology: tpu7x:2x2x1
jax: 0.10.2.dev20260603
libtpu: 0.0.44.dev20260713+nightly
codegen_flags: <defaults>
</compile_context>

<pallas_src>
import jax
import jax.numpy as jnp
from jax import lax
from jax.experimental import pallas as pl
from jax.experimental.pallas import tpu as pltpu
from jax.experimental.pallas import tpu_sc as plsc

NUM_CORES = 2
NUM_SUBCORES = 16
NUM_WORKERS = NUM_CORES * NUM_SUBCORES
BATCH = 16384
EMBED_DIM = 32
LANES = 16
B_PER_W = BATCH // NUM_WORKERS
CHUNK = 128
N_CHUNKS = B_PER_W // CHUNK


def _mf_body(uid_hbm, iid_hbm, ut_hbm, it_hbm, ub_hbm, ib_hbm, gb_hbm,
             out_hbm,
             uidx_v, iidx_v, urows_v, irows_v, ub_v, ib_v, gb_v, out_v, sem):
    wid = lax.axis_index("s") * NUM_CORES + lax.axis_index("c")
    base = wid * B_PER_W
    idx_row_base = wid * N_CHUNKS

    pltpu.sync_copy(uid_hbm.at[pl.ds(idx_row_base, N_CHUNKS)], uidx_v)
    pltpu.sync_copy(iid_hbm.at[pl.ds(idx_row_base, N_CHUNKS)], iidx_v)
    pltpu.sync_copy(gb_hbm, gb_v)

    copies = []
    for c in range(N_CHUNKS):
        sl = pl.ds(c * CHUNK, CHUNK)
        copies.append(
            pltpu.async_copy(ut_hbm.at[uidx_v.at[c]], urows_v.at[sl], sem))
        copies.append(
            pltpu.async_copy(it_hbm.at[iidx_v.at[c]], irows_v.at[sl], sem))
        copies.append(
            pltpu.async_copy(ub_hbm.at[uidx_v.at[c]], ub_v.at[sl], sem))
        copies.append(
            pltpu.async_copy(ib_hbm.at[iidx_v.at[c]], ib_v.at[sl], sem))
    for cp in copies:
        cp.wait()

    gb_vec = gb_v[...]
    lane = lax.iota(jnp.int32, LANES)

    def group_body(g, carry):
        r0 = g * LANES
        acc = jnp.zeros((LANES,), jnp.float32)
        for j in range(LANES):
            r = r0 + j
            u0 = urows_v[r, pl.ds(0, LANES)]
            u1 = urows_v[r, pl.ds(LANES, LANES)]
            i0 = irows_v[r, pl.ds(0, LANES)]
            i1 = irows_v[r, pl.ds(LANES, LANES)]
            dot = jnp.sum(u0 * i0 + u1 * i1)
            acc = jnp.where(lane == j, dot, acc)
        sl = pl.ds(r0, LANES)
        out_v[sl] = acc + ub_v[sl] + ib_v[sl] + gb_vec
        return carry

    lax.fori_loop(0, B_PER_W // LANES, group_body, 0)

    pltpu.sync_copy(out_v, out_hbm.at[pl.ds(base, B_PER_W)])


@jax.jit
def kernel(user_ids, item_ids, user_table, item_table, user_bias, item_bias,
           global_bias):
    uid2 = user_ids.astype(jnp.int32).reshape(BATCH // CHUNK, CHUNK)
    iid2 = item_ids.astype(jnp.int32).reshape(BATCH // CHUNK, CHUNK)
    ub_flat = user_bias.reshape(-1)
    ib_flat = item_bias.reshape(-1)
    gb = jnp.broadcast_to(global_bias.reshape(1), (LANES,))

    mesh = plsc.VectorSubcoreMesh(
        core_axis_name="c", subcore_axis_name="s",
        num_cores=NUM_CORES, num_subcores=NUM_SUBCORES)

    run = pl.kernel(
        _mf_body,
        out_type=jax.ShapeDtypeStruct((BATCH,), jnp.float32),
        mesh=mesh,
        compiler_params=pltpu.CompilerParams(
            needs_layout_passes=False, use_tc_tiling_on_sc=False),
        scratch_types=[
            pltpu.VMEM((N_CHUNKS, CHUNK), jnp.int32),
            pltpu.VMEM((N_CHUNKS, CHUNK), jnp.int32),
            pltpu.VMEM((B_PER_W, EMBED_DIM), jnp.float32),
            pltpu.VMEM((B_PER_W, EMBED_DIM), jnp.float32),
            pltpu.VMEM((B_PER_W,), jnp.float32),
            pltpu.VMEM((B_PER_W,), jnp.float32),
            pltpu.VMEM((LANES,), jnp.float32),
            pltpu.VMEM((B_PER_W,), jnp.float32),
            pltpu.SemaphoreType.DMA,
        ],
    )
    return run(uid2, iid2, user_table, item_table, ub_flat, ib_flat, gb)

# --- scband reference (transcript-rebuilt; emitter-appended) ---
"""Pipeline reference for scband-mfmodel-with-bias-90572270338444 (READ-ONLY COPY).

The authoritative reference and input builder live on the scoring server;
editing this copy changes nothing except your own understanding.
"""

import jax, jax.numpy as jnp
import numpy as np

NUM_USERS = 1000000
NUM_ITEMS = 1000000
EMBED_DIM = 32
BATCH = 16384


def setup_inputs(seed: int = 0) -> dict:
    key = jax.random.key(seed)
    k1, k2, k3, k4, k5, k6 = jax.random.split(key, 6)
    user_ids = jax.random.randint(k1, (BATCH,), 0, NUM_USERS)
    item_ids = jax.random.randint(k2, (BATCH,), 0, NUM_ITEMS)
    user_table = jax.random.uniform(k3, (NUM_USERS, EMBED_DIM), dtype=jnp.float32, minval=-0.01, maxval=0.01)
    item_table = jax.random.uniform(k4, (NUM_ITEMS, EMBED_DIM), dtype=jnp.float32, minval=-0.01, maxval=0.01)
    user_bias = jax.random.uniform(k5, (NUM_USERS, 1), dtype=jnp.float32, minval=-0.01, maxval=0.01)
    item_bias = jax.random.uniform(k6, (NUM_ITEMS, 1), dtype=jnp.float32, minval=-0.01, maxval=0.01)
    global_bias = jnp.zeros((), dtype=jnp.float32)
    return {
        "user_ids": user_ids,
        "item_ids": item_ids,
        "user_table": user_table,
        "item_table": item_table,
        "user_bias": user_bias,
        "item_bias": item_bias,
        "global_bias": global_bias,
    }


def reference(user_ids, item_ids, user_table, item_table, user_bias, item_bias, global_bias):
    # Embedding lookups (gather)
    user_emb = jnp.take(user_table, user_ids, axis=0)   # [B, D]
    item_emb = jnp.take(item_table, item_ids, axis=0)   # [B, D]
    # Dropout is identity in eval mode
    user_b = jnp.take(user_bias, user_ids, axis=0).squeeze(-1)  # [B]
    item_b = jnp.take(item_bias, item_ids, axis=0).squeeze(-1)  # [B]
    return (user_emb * item_emb).sum(axis=1) + user_b + item_b + global_bias

if __name__ == "__main__":
    import jax
    _d = setup_inputs()
    print(jax.jit(kernel)(*tuple(_d.values())))

</pallas_src>

<mosaic_0001>
#map = affine_map<(d0, d1) -> (0, 0)>
#map1 = affine_map<(d0, d1) -> (0)>
module attributes {stable_mosaic.version = 14 : i64} {
  func.func @_mf_body(%arg0: i32, %arg1: i32, %arg2: memref<128x128xi32, #tpu.memory_space<hbm>>, %arg3: memref<128x128xi32, #tpu.memory_space<hbm>>, %arg4: memref<1000000x32xf32, #tpu.memory_space<hbm>>, %arg5: memref<1000000x32xf32, #tpu.memory_space<hbm>>, %arg6: memref<1000000xf32, #tpu.memory_space<hbm>>, %arg7: memref<1000000xf32, #tpu.memory_space<hbm>>, %arg8: memref<16xf32, #tpu.memory_space<hbm>>, %arg9: memref<16384xf32, #tpu.memory_space<hbm>>, %arg10: memref<4x128xi32, #tpu.memory_space<vmem>>, %arg11: memref<4x128xi32, #tpu.memory_space<vmem>>, %arg12: memref<512x32xf32, #tpu.memory_space<vmem>>, %arg13: memref<512x32xf32, #tpu.memory_space<vmem>>, %arg14: memref<512xf32, #tpu.memory_space<vmem>>, %arg15: memref<512xf32, #tpu.memory_space<vmem>>, %arg16: memref<16xf32, #tpu.memory_space<vmem>>, %arg17: memref<512xf32, #tpu.memory_space<vmem>>, %arg18: memref<!tpu.dma_semaphore, #tpu.memory_space<semaphore_mem>>) attributes {dimension_semantics = [#tpu.dimension_semantics<core_parallel>, #tpu.dimension_semantics<subcore_parallel>], iteration_bounds = array<i64: 2, 16>, scalar_prefetch = 0 : i64, scratch_operands = 9 : i64, tpu.core_type = #tpu.core_type<sc_vector_subcore>, window_params = [{transform_indices = #map}, {transform_indices = #map}, {transform_indices = #map}, {transform_indices = #map}, {transform_indices = #map1}, {transform_indices = #map1}, {transform_indices = #map1}, {transform_indices = #map1}]} {
    %mul3A = arith.constant 2 : i32
    %mul3A_0 = arith.muli %arg1, %mul3A : i32
    %add3A = arith.addi %mul3A_0, %arg0 : i32
    %mul3A_1 = arith.constant 512 : i32
    %mul3A_2 = arith.muli %add3A, %mul3A_1 : i32
    %mul3A_3 = arith.constant 4 : i32
    %mul3A_4 = arith.muli %add3A, %mul3A_3 : i32
    "tpu.region"() ({
      %run_scoped3A = tpu.sem_alloc : memref<!tpu.dma_semaphore, #tpu.memory_space<semaphore_mem>>
      %dma_start3A_297 = arith.constant 0 : i32
      %dma_start3A_298 = tpu.memref_slice %arg2[%mul3A_4, %dma_start3A_297] : memref<128x128xi32, #tpu.memory_space<hbm>> -> memref<4x128xi32, #tpu.memory_space<hbm>>
      %dma_start3A_299 = arith.constant 0 : i32
      %dma_start3A_300 = tpu.memref_slice %arg2[%mul3A_4, %dma_start3A_299] : memref<128x128xi32, #tpu.memory_space<hbm>> -> memref<4x128xi32, #tpu.memory_space<hbm>>
      tpu.enqueue_dma source(%dma_start3A_300 : memref<4x128xi32, #tpu.memory_space<hbm>>) target(%arg10 : memref<4x128xi32, #tpu.memory_space<vmem>>) target_semaphore(%run_scoped3A : memref<!tpu.dma_semaphore, #tpu.memory_space<semaphore_mem>>)
      %dma_wait3A_301 = arith.constant 0 : i32
      %dma_wait3A_302 = tpu.memref_slice %arg2[%mul3A_4, %dma_wait3A_301] : memref<128x128xi32, #tpu.memory_space<hbm>> -> memref<4x128xi32, #tpu.memory_space<hbm>>
      %dma_wait3A_303 = arith.constant 0 : i32
      %dma_wait3A_304 = tpu.memref_slice %arg2[%mul3A_4, %dma_wait3A_303] : memref<128x128xi32, #tpu.memory_space<hbm>> -> memref<4x128xi32, #tpu.memory_space<hbm>>
      tpu.wait_dma2 semaphore(%run_scoped3A : memref<!tpu.dma_semaphore, #tpu.memory_space<semaphore_mem>>) src(%dma_wait3A_304 : memref<4x128xi32, #tpu.memory_space<hbm>>) dst(%arg10 : memref<4x128xi32, #tpu.memory_space<vmem>>)
      tpu.yield
    }) : () -> ()
    "tpu.region"() ({
      %run_scoped3A = tpu.sem_alloc : memref<!tpu.dma_semaphore, #tpu.memory_space<semaphore_mem>>
      %dma_start3A_297 = arith.constant 0 : i32
      %dma_start3A_298 = tpu.memref_slice %arg3[%mul3A_4, %dma_start3A_297] : memref<128x128xi32, #tpu.memory_space<hbm>> -> memref<4x128xi32, #tpu.memory_space<hbm>>
      %dma_start3A_299 = arith.constant 0 : i32
      %dma_start3A_300 = tpu.memref_slice %arg3[%mul3A_4, %dma_start3A_299] : memref<128x128xi32, #tpu.memory_space<hbm>> -> memref<4x128xi32, #tpu.memory_space<hbm>>
      tpu.enqueue_dma source(%dma_start3A_300 : memref<4x128xi32, #tpu.memory_space<hbm>>) target(%arg11 : memref<4x128xi32, #tpu.memory_space<vmem>>) target_semaphore(%run_scoped3A : memref<!tpu.dma_semaphore, #tpu.memory_space<semaphore_mem>>)
      %dma_wait3A_301 = arith.constant 0 : i32
      %dma_wait3A_302 = tpu.memref_slice %arg3[%mul3A_4, %dma_wait3A_301] : memref<128x128xi32, #tpu.memory_space<hbm>> -> memref<4x128xi32, #tpu.memory_space<hbm>>
      %dma_wait3A_303 = arith.constant 0 : i32
      %dma_wait3A_304 = tpu.memref_slice %arg3[%mul3A_4, %dma_wait3A_303] : memref<128x128xi32, #tpu.memory_space<hbm>> -> memref<4x128xi32, #tpu.memory_space<hbm>>
      tpu.wait_dma2 semaphore(%run_scoped3A : memref<!tpu.dma_semaphore, #tpu.memory_space<semaphore_mem>>) src(%dma_wait3A_304 : memref<4x128xi32, #tpu.memory_space<hbm>>) dst(%arg11 : memref<4x128xi32, #tpu.memory_space<vmem>>)
      tpu.yield
    }) : () -> ()
    "tpu.region"() ({
      %run_scoped3A = tpu.sem_alloc : memref<!tpu.dma_semaphore, #tpu.memory_space<semaphore_mem>>
      tpu.enqueue_dma source(%arg8 : memref<16xf32, #tpu.memory_space<hbm>>) target(%arg16 : memref<16xf32, #tpu.memory_space<vmem>>) target_semaphore(%run_scoped3A : memref<!tpu.dma_semaphore, #tpu.memory_space<semaphore_mem>>)
      tpu.wait_dma2 semaphore(%run_scoped3A : memref<!tpu.dma_semaphore, #tpu.memory_space<semaphore_mem>>) src(%arg8 : memref<16xf32, #tpu.memory_space<hbm>>) dst(%arg16 : memref<16xf32, #tpu.memory_space<vmem>>)
      tpu.yield
    }) : () -> ()
    %dma_start3A = arith.constant 0 : i32
    %dma_start3A_5 = arith.constant 0 : i32
    %dma_start3A_6 = arith.constant 0 : i32
    %dma_start3A_7 = tpu.memref_slice %arg12[%dma_start3A_5, %dma_start3A_6] : memref<512x32xf32, #tpu.memory_space<vmem>> -> memref<128x32xf32, #tpu.memory_space<vmem>>
    %dma_start3A_8 = arith.constant 0 : i32
    %dma_start3A_9 = tpu.memref_slice %arg10[%dma_start3A, %dma_start3A_8] : memref<4x128xi32, #tpu.memory_space<vmem>> -> memref<1x128xi32, #tpu.memory_space<vmem>>
    %dma_start3A_10 = tpu.memref_squeeze %dma_start3A_9 : memref<1x128xi32, #tpu.memory_space<vmem>> -> memref<128xi32, #tpu.memory_space<vmem>>
    %dma_start3A_11 = arith.constant 0 : i32
    %dma_start3A_12 = arith.constant 0 : i32
    %dma_start3A_13 = tpu.memref_slice %arg4[%dma_start3A_11, %dma_start3A_12] : memref<1000000x32xf32, #tpu.memory_space<hbm>> -> memref<1000000x32xf32, #tpu.memory_space<hbm>>
    tpu.enqueue_indirect_dma source(%dma_start3A_13 : memref<1000000x32xf32, #tpu.memory_space<hbm>>) target(%dma_start3A_7 : memref<128x32xf32, #tpu.memory_space<vmem>>) offsets(%dma_start3A_10 : memref<128xi32, #tpu.memory_space<vmem>>) semaphore(%arg18 : memref<!tpu.dma_semaphore, #tpu.memory_space<semaphore_mem>>)
    %dma_start3A_14 = arith.constant 0 : i32
    %dma_start3A_15 = arith.constant 0 : i32
    %dma_start3A_16 = arith.constant 0 : i32
    %dma_start3A_17 = tpu.memref_slice %arg13[%dma_start3A_15, %dma_start3A_16] : memref<512x32xf32, #tpu.memory_space<vmem>> -> memref<128x32xf32, #tpu.memory_space<vmem>>
    %dma_start3A_18 = arith.constant 0 : i32
    %dma_start3A_19 = tpu.memref_slice %arg11[%dma_start3A_14, %dma_start3A_18] : memref<4x128xi32, #tpu.memory_space<vmem>> -> memref<1x128xi32, #tpu.memory_space<vmem>>
    %dma_start3A_20 = tpu.memref_squeeze %dma_start3A_19 : memref<1x128xi32, #tpu.memory_space<vmem>> -> memref<128xi32, #tpu.memory_space<vmem>>
    %dma_start3A_21 = arith.constant 0 : i32
    %dma_start3A_22 = arith.constant 0 : i32
    %dma_start3A_23 = tpu.memref_slice %arg5[%dma_start3A_21, %dma_start3A_22] : memref<1000000x32xf32, #tpu.memory_space<hbm>> -> memref<1000000x32xf32, #tpu.memory_space<hbm>>
    tpu.enqueue_indirect_dma source(%dma_start3A_23 : memref<1000000x32xf32, #tpu.memory_space<hbm>>) target(%dma_start3A_17 : memref<128x32xf32, #tpu.memory_space<vmem>>) offsets(%dma_start3A_20 : memref<128xi32, #tpu.memory_space<vmem>>) semaphore(%arg18 : memref<!tpu.dma_semaphore, #tpu.memory_space<semaphore_mem>>)
    %dma_start3A_24 = arith.constant 0 : i32
    %dma_start3A_25 = arith.constant 0 : i32
    %dma_start3A_26 = tpu.memref_slice %arg14[%dma_start3A_25] : memref<512xf32, #tpu.memory_space<vmem>> -> memref<128xf32, #tpu.memory_space<vmem>>
    %dma_start3A_27 = arith.constant 0 : i32
    %dma_start3A_28 = tpu.memref_slice %arg10[%dma_start3A_24, %dma_start3A_27] : memref<4x128xi32, #tpu.memory_space<vmem>> -> memref<1x128xi32, #tpu.memory_space<vmem>>
    %dma_start3A_29 = tpu.memref_squeeze %dma_start3A_28 : memref<1x128xi32, #tpu.memory_space<vmem>> -> memref<128xi32, #tpu.memory_space<vmem>>
    %dma_start3A_30 = arith.constant 0 : i32
    %dma_start3A_31 = tpu.memref_slice %arg6[%dma_start3A_30] : memref<1000000xf32, #tpu.memory_space<hbm>> -> memref<1000000xf32, #tpu.memory_space<hbm>>
    tpu.enqueue_indirect_dma source(%dma_start3A_31 : memref<1000000xf32, #tpu.memory_space<hbm>>) target(%dma_start3A_26 : memref<128xf32, #tpu.memory_space<vmem>>) offsets(%dma_start3A_29 : memref<128xi32, #tpu.memory_space<vmem>>) semaphore(%arg18 : memref<!tpu.dma_semaphore, #tpu.memory_space<semaphore_mem>>)
    %dma_start3A_32 = arith.constant 0 : i32
    %dma_start3A_33 = arith.constant 0 : i32
    %dma_start3A_34 = tpu.memref_slice %arg15[%dma_start3A_33] : memref<512xf32, #tpu.memory_space<vmem>> -> memref<128xf32, #tpu.memory_space<vmem>>
    %dma_start3A_35 = arith.constant 0 : i32
    %dma_start3A_36 = tpu.memref_slice %arg11[%dma_start3A_32, %dma_start3A_35] : memref<4x128xi32, #tpu.memory_space<vmem>> -> memref<1x128xi32, #tpu.memory_space<vmem>>
    %dma_start3A_37 = tpu.memref_squeeze %dma_start3A_36 : memref<1x128xi32, #tpu.memory_space<vmem>> -> memref<128xi32, #tpu.memory_space<vmem>>
    %dma_start3A_38 = arith.constant 0 : i32
    %dma_start3A_39 = tpu.memref_slice %arg7[%dma_start3A_38] : memref<1000000xf32, #tpu.memory_space<hbm>> -> memref<1000000xf32, #tpu.memory_space<hbm>>
    tpu.enqueue_indirect_dma source(%dma_start3A_39 : memref<1000000xf32, #tpu.memory_space<hbm>>) target(%dma_start3A_34 : memref<128xf32, #tpu.memory_space<vmem>>) offsets(%dma_start3A_37 : memref<128xi32, #tpu.memory_space<vmem>>) semaphore(%arg18 : memref<!tpu.dma_semaphore, #tpu.memory_space<semaphore_mem>>)
    %dma_start3A_40 = arith.constant 1 : i32
    %dma_start3A_41 = arith.constant 128 : i32
    %dma_start3A_42 = arith.constant 0 : i32
    %dma_start3A_43 = tpu.memref_slice %arg12[%dma_start3A_41, %dma_start3A_42] : memref<512x32xf32, #tpu.memory_space<vmem>> -> memref<128x32xf32, #tpu.memory_space<vmem>>
    %dma_start3A_44 = arith.constant 0 : i32
    %dma_start3A_45 = tpu.memref_slice %arg10[%dma_start3A_40, %dma_start3A_44] : memref<4x128xi32, #tpu.memory_space<vmem>> -> memref<1x128xi32, #tpu.memory_space<vmem>>
    %dma_start3A_46 = tpu.memref_squeeze %dma_start3A_45 : memref<1x128xi32, #tpu.memory_space<vmem>> -> memref<128xi32, #tpu.memory_space<vmem>>
    %dma_start3A_47 = arith.constant 0 : i32
    %dma_start3A_48 = arith.constant 0 : i32
    %dma_start3A_49 = tpu.memref_slice %arg4[%dma_start3A_47, %dma_start3A_48] : memref<1000000x32xf32, #tpu.memory_space<hbm>> -> memref<1000000x32xf32, #tpu.memory_space<hbm>>
    tpu.enqueue_indirect_dma source(%dma_start3A_49 : memref<1000000x32xf32, #tpu.memory_space<hbm>>) target(%dma_start3A_43 : memref<128x32xf32, #tpu.memory_space<vmem>>) offsets(%dma_start3A_46 : memref<128xi32, #tpu.memory_space<vmem>>) semaphore(%arg18 : memref<!tpu.dma_semaphore, #tpu.memory_space<semaphore_mem>>)
    %dma_start3A_50 = arith.constant 1 : i32
    %dma_start3A_51 = arith.constant 128 : i32
    %dma_start3A_52 = arith.constant 0 : i32
    %dma_start3A_53 = tpu.memref_slice %arg13[%dma_start3A_51, %dma_start3A_52] : memref<512x32xf32, #tpu.memory_space<vmem>> -> memref<128x32xf32, #tpu.memory_space<vmem>>
    %dma_start3A_54 = arith.constant 0 : i32
    %dma_start3A_55 = tpu.memref_slice %arg11[%dma_start3A_50, %dma_start3A_54] : memref<4x128xi32, #tpu.memory_space<vmem>> -> memref<1x128xi32, #tpu.memory_space<vmem>>
    %dma_start3A_56 = tpu.memref_squeeze %dma_start3A_55 : memref<1x128xi32, #tpu.memory_space<vmem>> -> memref<128xi32, #tpu.memory_space<vmem>>
    %dma_start3A_57 = arith.constant 0 : i32
    %dma_start3A_58 = arith.constant 0 : i32
    %dma_start3A_59 = tpu.memref_slice %arg5[%dma_start3A_57, %dma_start3A_58] : memref<1000000x32xf32, #tpu.memory_space<hbm>> -> memref<1000000x32xf32, #tpu.memory_space<hbm>>
    tpu.enqueue_indirect_dma source(%dma_start3A_59 : memref<1000000x32xf32, #tpu.memory_space<hbm>>) target(%dma_start3A_53 : memref<128x32xf32, #tpu.memory_space<vmem>>) offsets(%dma_start3A_56 : memref<128xi32, #tpu.memory_space<vmem>>) semaphore(%arg18 : memref<!tpu.dma_semaphore, #tpu.memory_space<semaphore_mem>>)
    %dma_start3A_60 = arith.constant 1 : i32
    %dma_start3A_61 = arith.constant 128 : i32
    %dma_start3A_62 = tpu.memref_slice %arg14[%dma_start3A_61] : memref<512xf32, #tpu.memory_space<vmem>> -> memref<128xf32, #tpu.memory_space<vmem>>
    %dma_start3A_63 = arith.constant 0 : i32
    %dma_start3A_64 = tpu.memref_slice %arg10[%dma_start3A_60, %dma_start3A_63] : memref<4x128xi32, #tpu.memory_space<vmem>> -> memref<1x128xi32, #tpu.memory_space<vmem>>
    %dma_start3A_65 = tpu.memref_squeeze %dma_start3A_64 : memref<1x128xi32, #tpu.memory_space<vmem>> -> memref<128xi32, #tpu.memory_space<vmem>>
    %dma_start3A_66 = arith.constant 0 : i32
    %dma_start3A_67 = tpu.memref_slice %arg6[%dma_start3A_66] : memref<1000000xf32, #tpu.memory_space<hbm>> -> memref<1000000xf32, #tpu.memory_space<hbm>>
    tpu.enqueue_indirect_dma source(%dma_start3A_67 : memref<1000000xf32, #tpu.memory_space<hbm>>) target(%dma_start3A_62 : memref<128xf32, #tpu.memory_space<vmem>>) offsets(%dma_start3A_65 : memref<128xi32, #tpu.memory_space<vmem>>) semaphore(%arg18 : memref<!tpu.dma_semaphore, #tpu.memory_space<semaphore_mem>>)
    %dma_start3A_68 = arith.constant 1 : i32
    %dma_start3A_69 = arith.constant 128 : i32
    %dma_start3A_70 = tpu.memref_slice %arg15[%dma_start3A_69] : memref<512xf32, #tpu.memory_space<vmem>> -> memref<128xf32, #tpu.memory_space<vmem>>
    %dma_start3A_71 = arith.constant 0 : i32
    %dma_start3A_72 = tpu.memref_slice %arg11[%dma_start3A_68, %dma_start3A_71] : memref<4x128xi32, #tpu.memory_space<vmem>> -> memref<1x128xi32, #tpu.memory_space<vmem>>
    %dma_start3A_73 = tpu.memref_squeeze %dma_start3A_72 : memref<1x128xi32, #tpu.memory_space<vmem>> -> memref<128xi32, #tpu.memory_space<vmem>>
    %dma_start3A_74 = arith.constant 0 : i32
    %dma_start3A_75 = tpu.memref_slice %arg7[%dma_start3A_74] : memref<1000000xf32, #tpu.memory_space<hbm>> -> memref<1000000xf32, #tpu.memory_space<hbm>>
    tpu.enqueue_indirect_dma source(%dma_start3A_75 : memref<1000000xf32, #tpu.memory_space<hbm>>) target(%dma_start3A_70 : memref<128xf32, #tpu.memory_space<vmem>>) offsets(%dma_start3A_73 : memref<128xi32, #tpu.memory_space<vmem>>) semaphore(%arg18 : memref<!tpu.dma_semaphore, #tpu.memory_space<semaphore_mem>>)
    %dma_start3A_76 = arith.constant 2 : i32
    %dma_start3A_77 = arith.constant 256 : i32
    %dma_start3A_78 = arith.constant 0 : i32
    %dma_start3A_79 = tpu.memref_slice %arg12[%dma_start3A_77, %dma_start3A_78] : memref<512x32xf32, #tpu.memory_space<vmem>> -> memref<128x32xf32, #tpu.memory_space<vmem>>
    %dma_start3A_80 = arith.constant 0 : i32
    %dma_start3A_81 = tpu.memref_slice %arg10[%dma_start3A_76, %dma_start3A_80] : memref<4x128xi32, #tpu.memory_space<vmem>> -> memref<1x128xi32, #tpu.memory_space<vmem>>
    %dma_start3A_82 = tpu.memref_squeeze %dma_start3A_81 : memref<1x128xi32, #tpu.memory_space<vmem>> -> memref<128xi32, #tpu.memory_space<vmem>>
    %dma_start3A_83 = arith.constant 0 : i32
    %dma_start3A_84 = arith.constant 0 : i32
    %dma_start3A_85 = tpu.memref_slice %arg4[%dma_start3A_83, %dma_start3A_84] : memref<1000000x32xf32, #tpu.memory_space<hbm>> -> memref<1000000x32xf32, #tpu.memory_space<hbm>>
    tpu.enqueue_indirect_dma source(%dma_start3A_85 : memref<1000000x32xf32, #tpu.memory_space<hbm>>) target(%dma_start3A_79 : memref<128x32xf32, #tpu.memory_space<vmem>>) offsets(%dma_start3A_82 : memref<128xi32, #tpu.memory_space<vmem>>) semaphore(%arg18 : memref<!tpu.dma_semaphore, #tpu.memory_space<semaphore_mem>>)
    %dma_start3A_86 = arith.constant 2 : i32
    %dma_start3A_87 = arith.constant 256 : i32
    %dma_start3A_88 = arith.constant 0 : i32
    %dma_start3A_89 = tpu.memref_slice %arg13[%dma_start3A_87, %dma_start3A_88] : memref<512x32xf32, #tpu.memory_space<vmem>> -> memref<128x32xf32, #tpu.memory_space<vmem>>
    %dma_start3A_90 = arith.constant 0 : i32
    %dma_start3A_91 = tpu.memref_slice %arg11[%dma_start3A_86, %dma_start3A_90] : memref<4x128xi32, #tpu.memory_space<vmem>> -> memref<1x128xi32, #tpu.memory_space<vmem>>
    %dma_start3A_92 = tpu.memref_squeeze %dma_start3A_91 : memref<1x128xi32, #tpu.memory_space<vmem>> -> memref<128xi32, #tpu.memory_space<vmem>>
    %dma_start3A_93 = arith.constant 0 : i32
    %dma_start3A_94 = arith.constant 0 : i32
    %dma_start3A_95 = tpu.memref_slice %arg5[%dma_start3A_93, %dma_start3A_94] : memref<1000000x32xf32, #tpu.memory_space<hbm>> -> memref<1000000x32xf32, #tpu.memory_space<hbm>>
    tpu.enqueue_indirect_dma source(%dma_start3A_95 : memref<1000000x32xf32, #tpu.memory_space<hbm>>) target(%dma_start3A_89 : memref<128x32xf32, #tpu.memory_space<vmem>>) offsets(%dma_start3A_92 : memref<128xi32, #tpu.memory_space<vmem>>) semaphore(%arg18 : memref<!tpu.dma_semaphore, #tpu.memory_space<semaphore_mem>>)
    %dma_start3A_96 = arith.constant 2 : i32
    %dma_start3A_97 = arith.constant 256 : i32
    %dma_start3A_98 = tpu.memref_slice %arg14[%dma_start3A_97] : memref<512xf32, #tpu.memory_space<vmem>> -> memref<128xf32, #tpu.memory_space<vmem>>
    %dma_start3A_99 = arith.constant 0 : i32
    %dma_start3A_100 = tpu.memref_slice %arg10[%dma_start3A_96, %dma_start3A_99] : memref<4x128xi32, #tpu.memory_space<vmem>> -> memref<1x128xi32, #tpu.memory_space<vmem>>
    %dma_start3A_101 = tpu.memref_squeeze %dma_start3A_100 : memref<1x128xi32, #tpu.memory_space<vmem>> -> memref<128xi32, #tpu.memory_space<vmem>>
    %dma_start3A_102 = arith.constant 0 : i32
    %dma_start3A_103 = tpu.memref_slice %arg6[%dma_start3A_102] : memref<1000000xf32, #tpu.memory_space<hbm>> -> memref<1000000xf32, #tpu.memory_space<hbm>>
    tpu.enqueue_indirect_dma source(%dma_start3A_103 : memref<1000000xf32, #tpu.memory_space<hbm>>) target(%dma_start3A_98 : memref<128xf32, #tpu.memory_space<vmem>>) offsets(%dma_start3A_101 : memref<128xi32, #tpu.memory_space<vmem>>) semaphore(%arg18 : memref<!tpu.dma_semaphore, #tpu.memory_space<semaphore_mem>>)
    %dma_start3A_104 = arith.constant 2 : i32
    %dma_start3A_105 = arith.constant 256 : i32
    %dma_start3A_106 = tpu.memref_slice %arg15[%dma_start3A_105] : memref<512xf32, #tpu.memory_space<vmem>> -> memref<128xf32, #tpu.memory_space<vmem>>
    %dma_start3A_107 = arith.constant 0 : i32
    %dma_start3A_108 = tpu.memref_slice %arg11[%dma_start3A_104, %dma_start3A_107] : memref<4x128xi32, #tpu.memory_space<vmem>> -> memref<1x128xi32, #tpu.memory_space<vmem>>
    %dma_start3A_109 = tpu.memref_squeeze %dma_start3A_108 : memref<1x128xi32, #tpu.memory_space<vmem>> -> memref<128xi32, #tpu.memory_space<vmem>>
    %dma_start3A_110 = arith.constant 0 : i32
    %dma_start3A_111 = tpu.memref_slice %arg7[%dma_start3A_110] : memref<1000000xf32, #tpu.memory_space<hbm>> -> memref<1000000xf32, #tpu.memory_space<hbm>>
    tpu.enqueue_indirect_dma source(%dma_start3A_111 : memref<1000000xf32, #tpu.memory_space<hbm>>) target(%dma_start3A_106 : memref<128xf32, #tpu.memory_space<vmem>>) offsets(%dma_start3A_109 : memref<128xi32, #tpu.memory_space<vmem>>) semaphore(%arg18 : memref<!tpu.dma_semaphore, #tpu.memory_space<semaphore_mem>>)
    %dma_start3A_112 = arith.constant 3 : i32
    %dma_start3A_113 = arith.constant 384 : i32
    %dma_start3A_114 = arith.constant 0 : i32
    %dma_start3A_115 = tpu.memref_slice %arg12[%dma_start3A_113, %dma_start3A_114] : memref<512x32xf32, #tpu.memory_space<vmem>> -> memref<128x32xf32, #tpu.memory_space<vmem>>
    %dma_start3A_116 = arith.constant 0 : i32
    %dma_start3A_117 = tpu.memref_slice %arg10[%dma_start3A_112, %dma_start3A_116] : memref<4x128xi32, #tpu.memory_space<vmem>> -> memref<1x128xi32, #tpu.memory_space<vmem>>
    %dma_start3A_118 = tpu.memref_squeeze %dma_start3A_117 : memref<1x128xi32, #tpu.memory_space<vmem>> -> memref<128xi32, #tpu.memory_space<vmem>>
    %dma_start3A_119 = arith.constant 0 : i32
    %dma_start3A_120 = arith.constant 0 : i32
    %dma_start3A_121 = tpu.memref_slice %arg4[%dma_start3A_119, %dma_start3A_120] : memref<1000000x32xf32, #tpu.memory_space<hbm>> -> memref<1000000x32xf32, #tpu.memory_space<hbm>>
    tpu.enqueue_indirect_dma source(%dma_start3A_121 : memref<1000000x32xf32, #tpu.memory_space<hbm>>) target(%dma_start3A_115 : memref<128x32xf32, #tpu.memory_space<vmem>>) offsets(%dma_start3A_118 : memref<128xi32, #tpu.memory_space<vmem>>) semaphore(%arg18 : memref<!tpu.dma_semaphore, #tpu.memory_space<semaphore_mem>>)
    %dma_start3A_122 = arith.constant 3 : i32
    %dma_start3A_123 = arith.constant 384 : i32
    %dma_start3A_124 = arith.constant 0 : i32
    %dma_start3A_125 = tpu.memref_slice %arg13[%dma_start3A_123, %dma_start3A_124] : memref<512x32xf32, #tpu.memory_space<vmem>> -> memref<128x32xf32, #tpu.memory_space<vmem>>
    %dma_start3A_126 = arith.constant 0 : i32
    %dma_start3A_127 = tpu.memref_slice %arg11[%dma_start3A_122, %dma_start3A_126] : memref<4x128xi32, #tpu.memory_space<vmem>> -> memref<1x128xi32, #tpu.memory_space<vmem>>
    %dma_start3A_128 = tpu.memref_squeeze %dma_start3A_127 : memref<1x128xi32, #tpu.memory_space<vmem>> -> memref<128xi32, #tpu.memory_space<vmem>>
    %dma_start3A_129 = arith.constant 0 : i32
    %dma_start3A_130 = arith.constant 0 : i32
    %dma_start3A_131 = tpu.memref_slice %arg5[%dma_start3A_129, %dma_start3A_130] : memref<1000000x32xf32, #tpu.memory_space<hbm>> -> memref<1000000x32xf32, #tpu.memory_space<hbm>>
    tpu.enqueue_indirect_dma source(%dma_start3A_131 : memref<1000000x32xf32, #tpu.memory_space<hbm>>) target(%dma_start3A_125 : memref<128x32xf32, #tpu.memory_space<vmem>>) offsets(%dma_start3A_128 : memref<128xi32, #tpu.memory_space<vmem>>) semaphore(%arg18 : memref<!tpu.dma_semaphore, #tpu.memory_space<semaphore_mem>>)
    %dma_start3A_132 = arith.constant 3 : i32
    %dma_start3A_133 = arith.constant 384 : i32
    %dma_start3A_134 = tpu.memref_slice %arg14[%dma_start3A_133] : memref<512xf32, #tpu.memory_space<vmem>> -> memref<128xf32, #tpu.memory_space<vmem>>
    %dma_start3A_135 = arith.constant 0 : i32
    %dma_start3A_136 = tpu.memref_slice %arg10[%dma_start3A_132, %dma_start3A_135] : memref<4x128xi32, #tpu.memory_space<vmem>> -> memref<1x128xi32, #tpu.memory_space<vmem>>
    %dma_start3A_137 = tpu.memref_squeeze %dma_start3A_136 : memref<1x128xi32, #tpu.memory_space<vmem>> -> memref<128xi32, #tpu.memory_space<vmem>>
    %dma_start3A_138 = arith.constant 0 : i32
    %dma_start3A_139 = tpu.memref_slice %arg6[%dma_start3A_138] : memref<1000000xf32, #tpu.memory_space<hbm>> -> memref<1000000xf32, #tpu.memory_space<hbm>>
    tpu.enqueue_indirect_dma source(%dma_start3A_139 : memref<1000000xf32, #tpu.memory_space<hbm>>) target(%dma_start3A_134 : memref<128xf32, #tpu.memory_space<vmem>>) offsets(%dma_start3A_137 : memref<128xi32, #tpu.memory_space<vmem>>) semaphore(%arg18 : memref<!tpu.dma_semaphore, #tpu.memory_space<semaphore_mem>>)
    %dma_start3A_140 = arith.constant 3 : i32
    %dma_start3A_141 = arith.constant 384 : i32
    %dma_start3A_142 = tpu.memref_slice %arg15[%dma_start3A_141] : memref<512xf32, #tpu.memory_space<vmem>> -> memref<128xf32, #tpu.memory_space<vmem>>
    %dma_start3A_143 = arith.constant 0 : i32
    %dma_start3A_144 = tpu.memref_slice %arg11[%dma_start3A_140, %dma_start3A_143] : memref<4x128xi32, #tpu.memory_space<vmem>> -> memref<1x128xi32, #tpu.memory_space<vmem>>
    %dma_start3A_145 = tpu.memref_squeeze %dma_start3A_144 : memref<1x128xi32, #tpu.memory_space<vmem>> -> memref<128xi32, #tpu.memory_space<vmem>>
    %dma_start3A_146 = arith.constant 0 : i32
    %dma_start3A_147 = tpu.memref_slice %arg7[%dma_start3A_146] : memref<1000000xf32, #tpu.memory_space<hbm>> -> memref<1000000xf32, #tpu.memory_space<hbm>>
    tpu.enqueue_indirect_dma source(%dma_start3A_147 : memref<1000000xf32, #tpu.memory_space<hbm>>) target(%dma_start3A_142 : memref<128xf32, #tpu.memory_space<vmem>>) offsets(%dma_start3A_145 : memref<128xi32, #tpu.memory_space<vmem>>) semaphore(%arg18 : memref<!tpu.dma_semaphore, #tpu.memory_space<semaphore_mem>>)
    %dma_wait3A = arith.constant 0 : i32
    %dma_wait3A_148 = arith.constant 0 : i32
    %dma_wait3A_149 = arith.constant 0 : i32
    %dma_wait3A_150 = tpu.memref_slice %arg12[%dma_wait3A_148, %dma_wait3A_149] : memref<512x32xf32, #tpu.memory_space<vmem>> -> memref<128x32xf32, #tpu.memory_space<vmem>>
    %dma_wait3A_151 = arith.constant 0 : i32
    %dma_wait3A_152 = tpu.memref_slice %arg10[%dma_wait3A, %dma_wait3A_151] : memref<4x128xi32, #tpu.memory_space<vmem>> -> memref<1x128xi32, #tpu.memory_space<vmem>>
    %dma_wait3A_153 = tpu.memref_squeeze %dma_wait3A_152 : memref<1x128xi32, #tpu.memory_space<vmem>> -> memref<128xi32, #tpu.memory_space<vmem>>
    %dma_wait3A_154 = arith.constant 0 : i32
    %dma_wait3A_155 = arith.constant 0 : i32
    %dma_wait3A_156 = tpu.memref_slice %arg4[%dma_wait3A_154, %dma_wait3A_155] : memref<1000000x32xf32, #tpu.memory_space<hbm>> -> memref<1000000x32xf32, #tpu.memory_space<hbm>>
    tpu.wait_indirect_dma semaphore(%arg18 : memref<!tpu.dma_semaphore, #tpu.memory_space<semaphore_mem>>) src(%dma_wait3A_156 : memref<1000000x32xf32, #tpu.memory_space<hbm>>) dst(%dma_wait3A_150 : memref<128x32xf32, #tpu.memory_space<vmem>>)
    %dma_wait3A_157 = arith.constant 0 : i32
    %dma_wait3A_158 = arith.constant 0 : i32
    %dma_wait3A_159 = arith.constant 0 : i32
    %dma_wait3A_160 = tpu.memref_slice %arg13[%dma_wait3A_158, %dma_wait3A_159] : memref<512x32xf32, #tpu.memory_space<vmem>> -> memref<128x32xf32, #tpu.memory_space<vmem>>
    %dma_wait3A_161 = arith.constant 0 : i32
    %dma_wait3A_162 = tpu.memref_slice %arg11[%dma_wait3A_157, %dma_wait3A_161] : memref<4x128xi32, #tpu.memory_space<vmem>> -> memref<1x128xi32, #tpu.memory_space<vmem>>
    %dma_wait3A_163 = tpu.memref_squeeze %dma_wait3A_162 : memref<1x128xi32, #tpu.memory_space<vmem>> -> memref<128xi32, #tpu.memory_space<vmem>>
    %dma_wait3A_164 = arith.constant 0 : i32
    %dma_wait3A_165 = arith.constant 0 : i32
    %dma_wait3A_166 = tpu.memref_slice %arg5[%dma_wait3A_164, %dma_wait3A_165] : memref<1000000x32xf32, #tpu.memory_space<hbm>> -> memref<1000000x32xf32, #tpu.memory_space<hbm>>
    tpu.wait_indirect_dma semaphore(%arg18 : memref<!tpu.dma_semaphore, #tpu.memory_space<semaphore_mem>>) src(%dma_wait3A_166 : memref<1000000x32xf32, #tpu.memory_space<hbm>>) dst(%dma_wait3A_160 : memref<128x32xf32, #tpu.memory_space<vmem>>)
    %dma_wait3A_167 = arith.constant 0 : i32
    %dma_wait3A_168 = arith.constant 0 : i32
    %dma_wait3A_169 = tpu.memref_slice %arg14[%dma_wait3A_168] : memref<512xf32, #tpu.memory_space<vmem>> -> memref<128xf32, #tpu.memory_space<vmem>>
    %dma_wait3A_170 = arith.constant 0 : i32
    %dma_wait3A_171 = tpu.memref_slice %arg10[%dma_wait3A_167, %dma_wait3A_170] : memref<4x128xi32, #tpu.memory_space<vmem>> -> memref<1x128xi32, #tpu.memory_space<vmem>>
    %dma_wait3A_172 = tpu.memref_squeeze %dma_wait3A_171 : memref<1x128xi32, #tpu.memory_space<vmem>> -> memref<128xi32, #tpu.memory_space<vmem>>
    %dma_wait3A_173 = arith.constant 0 : i32
    %dma_wait3A_174 = tpu.memref_slice %arg6[%dma_wait3A_173] : memref<1000000xf32, #tpu.memory_space<hbm>> -> memref<1000000xf32, #tpu.memory_space<hbm>>
    tpu.wait_indirect_dma semaphore(%arg18 : memref<!tpu.dma_semaphore, #tpu.memory_space<semaphore_mem>>) src(%dma_wait3A_174 : memref<1000000xf32, #tpu.memory_space<hbm>>) dst(%dma_wait3A_169 : memref<128xf32, #tpu.memory_space<vmem>>)
    %dma_wait3A_175 = arith.constant 0 : i32
    %dma_wait3A_176 = arith.constant 0 : i32
    %dma_wait3A_177 = tpu.memref_slice %arg15[%dma_wait3A_176] : memref<512xf32, #tpu.memory_space<vmem>> -> memref<128xf32, #tpu.memory_space<vmem>>
    %dma_wait3A_178 = arith.constant 0 : i32
    %dma_wait3A_179 = tpu.memref_slice %arg11[%dma_wait3A_175, %dma_wait3A_178] : memref<4x128xi32, #tpu.memory_space<vmem>> -> memref<1x128xi32, #tpu.memory_space<vmem>>
    %dma_wait3A_180 = tpu.memref_squeeze %dma_wait3A_179 : memref<1x128xi32, #tpu.memory_space<vmem>> -> memref<128xi32, #tpu.memory_space<vmem>>
    %dma_wait3A_181 = arith.constant 0 : i32
    %dma_wait3A_182 = tpu.memref_slice %arg7[%dma_wait3A_181] : memref<1000000xf32, #tpu.memory_space<hbm>> -> memref<1000000xf32, #tpu.memory_space<hbm>>
    tpu.wait_indirect_dma semaphore(%arg18 : memref<!tpu.dma_semaphore, #tpu.memory_space<semaphore_mem>>) src(%dma_wait3A_182 : memref<1000000xf32, #tpu.memory_space<hbm>>) dst(%dma_wait3A_177 : memref<128xf32, #tpu.memory_space<vmem>>)
    %dma_wait3A_183 = arith.constant 1 : i32
    %dma_wait3A_184 = arith.constant 128 : i32
    %dma_wait3A_185 = arith.constant 0 : i32
    %dma_wait3A_186 = tpu.memref_slice %arg12[%dma_wait3A_184, %dma_wait3A_185] : memref<512x32xf32, #tpu.memory_space<vmem>> -> memref<128x32xf32, #tpu.memory_space<vmem>>
    %dma_wait3A_187 = arith.constant 0 : i32
    %dma_wait3A_188 = tpu.memref_slice %arg10[%dma_wait3A_183, %dma_wait3A_187] : memref<4x128xi32, #tpu.memory_space<vmem>> -> memref<1x128xi32, #tpu.memory_space<vmem>>
    %dma_wait3A_189 = tpu.memref_squeeze %dma_wait3A_188 : memref<1x128xi32, #tpu.memory_space<vmem>> -> memref<128xi32, #tpu.memory_space<vmem>>
    %dma_wait3A_190 = arith.constant 0 : i32
    %dma_wait3A_191 = arith.constant 0 : i32
    %dma_wait3A_192 = tpu.memref_slice %arg4[%dma_wait3A_190, %dma_wait3A_191] : memref<1000000x32xf32, #tpu.memory_space<hbm>> -> memref<1000000x32xf32, #tpu.memory_space<hbm>>
    tpu.wait_indirect_dma semaphore(%arg18 : memref<!tpu.dma_semaphore, #tpu.memory_space<semaphore_mem>>) src(%dma_wait3A_192 : memref<1000000x32xf32, #tpu.memory_space<hbm>>) dst(%dma_wait3A_186 : memref<128x32xf32, #tpu.memory_space<vmem>>)
    %dma_wait3A_193 = arith.constant 1 : i32
    %dma_wait3A_194 = arith.constant 128 : i32
    %dma_wait3A_195 = arith.constant 0 : i32
    %dma_wait3A_196 = tpu.memref_slice %arg13[%dma_wait3A_194, %dma_wait3A_195] : memref<512x32xf32, #tpu.memory_space<vmem>> -> memref<128x32xf32, #tpu.memory_space<vmem>>
    %dma_wait3A_197 = arith.constant 0 : i32
    %dma_wait3A_198 = tpu.memref_slice %arg11[%dma_wait3A_193, %dma_wait3A_197] : memref<4x128xi32, #tpu.memory_space<vmem>> -> memref<1x128xi32, #tpu.memory_space<vmem>>
    %dma_wait3A_199 = tpu.memref_squeeze %dma_wait3A_198 : memref<1x128xi32, #tpu.memory_space<vmem>> -> memref<128xi32, #tpu.memory_space<vmem>>
    %dma_wait3A_200 = arith.constant 0 : i32
    %dma_wait3A_201 = arith.constant 0 : i32
    %dma_wait3A_202 = tpu.memref_slice %arg5[%dma_wait3A_200, %dma_wait3A_201] : memref<1000000x32xf32, #tpu.memory_space<hbm>> -> memref<1000000x32xf32, #tpu.memory_space<hbm>>
    tpu.wait_indirect_dma semaphore(%arg18 : memref<!tpu.dma_semaphore, #tpu.memory_space<semaphore_mem>>) src(%dma_wait3A_202 : memref<1000000x32xf32, #tpu.memory_space<hbm>>) dst(%dma_wait3A_196 : memref<128x32xf32, #tpu.memory_space<vmem>>)
    %dma_wait3A_203 = arith.constant 1 : i32
    %dma_wait3A_204 = arith.constant 128 : i32
    %dma_wait3A_205 = tpu.memref_slice %arg14[%dma_wait3A_204] : memref<512xf32, #tpu.memory_space<vmem>> -> memref<128xf32, #tpu.memory_space<vmem>>
    %dma_wait3A_206 = arith.constant 0 : i32
    %dma_wait3A_207 = tpu.memref_slice %arg10[%dma_wait3A_203, %dma_wait3A_206] : memref<4x128xi32, #tpu.memory_space<vmem>> -> memref<1x128xi32, #tpu.memory_space<vmem>>
    %dma_wait3A_208 = tpu.memref_squeeze %dma_wait3A_207 : memref<1x128xi32, #tpu.memory_space<vmem>> -> memref<128xi32, #tpu.memory_space<vmem>>
    %dma_wait3A_209 = arith.constant 0 : i32
    %dma_wait3A_210 = tpu.memref_slice %arg6[%dma_wait3A_209] : memref<1000000xf32, #tpu.memory_space<hbm>> -> memref<1000000xf32, #tpu.memory_space<hbm>>
    tpu.wait_indirect_dma semaphore(%arg18 : memref<!tpu.dma_semaphore, #tpu.memory_space<semaphore_mem>>) src(%dma_wait3A_210 : memref<1000000xf32, #tpu.memory_space<hbm>>) dst(%dma_wait3A_205 : memref<128xf32, #tpu.memory_space<vmem>>)
    %dma_wait3A_211 = arith.constant 1 : i32
    %dma_wait3A_212 = arith.constant 128 : i32
    %dma_wait3A_213 = tpu.memref_slice %arg15[%dma_wait3A_212] : memref<512xf32, #tpu.memory_space<vmem>> -> memref<128xf32, #tpu.memory_space<vmem>>
    %dma_wait3A_214 = arith.constant 0 : i32
    %dma_wait3A_215 = tpu.memref_slice %arg11[%dma_wait3A_211, %dma_wait3A_214] : memref<4x128xi32, #tpu.memory_space<vmem>> -> memref<1x128xi32, #tpu.memory_space<vmem>>
    %dma_wait3A_216 = tpu.memref_squeeze %dma_wait3A_215 : memref<1x128xi32, #tpu.memory_space<vmem>> -> memref<128xi32, #tpu.memory_space<vmem>>
    %dma_wait3A_217 = arith.constant 0 : i32
    %dma_wait3A_218 = tpu.memref_slice %arg7[%dma_wait3A_217] : memref<1000000xf32, #tpu.memory_space<hbm>> -> memref<1000000xf32, #tpu.memory_space<hbm>>
    tpu.wait_indirect_dma semaphore(%arg18 : memref<!tpu.dma_semaphore, #tpu.memory_space<semaphore_mem>>) src(%dma_wait3A_218 : memref<1000000xf32, #tpu.memory_space<hbm>>) dst(%dma_wait3A_213 : memref<128xf32, #tpu.memory_space<vmem>>)
    %dma_wait3A_219 = arith.constant 2 : i32
    %dma_wait3A_220 = arith.constant 256 : i32
    %dma_wait3A_221 = arith.constant 0 : i32
    %dma_wait3A_222 = tpu.memref_slice %arg12[%dma_wait3A_220, %dma_wait3A_221] : memref<512x32xf32, #tpu.memory_space<vmem>> -> memref<128x32xf32, #tpu.memory_space<vmem>>
    %dma_wait3A_223 = arith.constant 0 : i32
    %dma_wait3A_224 = tpu.memref_slice %arg10[%dma_wait3A_219, %dma_wait3A_223] : memref<4x128xi32, #tpu.memory_space<vmem>> -> memref<1x128xi32, #tpu.memory_space<vmem>>
    %dma_wait3A_225 = tpu.memref_squeeze %dma_wait3A_224 : memref<1x128xi32, #tpu.memory_space<vmem>> -> memref<128xi32, #tpu.memory_space<vmem>>
    %dma_wait3A_226 = arith.constant 0 : i32
    %dma_wait3A_227 = arith.constant 0 : i32
    %dma_wait3A_228 = tpu.memref_slice %arg4[%dma_wait3A_226, %dma_wait3A_227] : memref<1000000x32xf32, #tpu.memory_space<hbm>> -> memref<1000000x32xf32, #tpu.memory_space<hbm>>
    tpu.wait_indirect_dma semaphore(%arg18 : memref<!tpu.dma_semaphore, #tpu.memory_space<semaphore_mem>>) src(%dma_wait3A_228 : memref<1000000x32xf32, #tpu.memory_space<hbm>>) dst(%dma_wait3A_222 : memref<128x32xf32, #tpu.memory_space<vmem>>)
    %dma_wait3A_229 = arith.constant 2 : i32
    %dma_wait3A_230 = arith.constant 256 : i32
    %dma_wait3A_231 = arith.constant 0 : i32
    %dma_wait3A_232 = tpu.memref_slice %arg13[%dma_wait3A_230, %dma_wait3A_231] : memref<512x32xf32, #tpu.memory_space<vmem>> -> memref<128x32xf32, #tpu.memory_space<vmem>>
    %dma_wait3A_233 = arith.constant 0 : i32
    %dma_wait3A_234 = tpu.memref_slice %arg11[%dma_wait3A_229, %dma_wait3A_233] : memref<4x128xi32, #tpu.memory_space<vmem>> -> memref<1x128xi32, #tpu.memory_space<vmem>>
    %dma_wait3A_235 = tpu.memref_squeeze %dma_wait3A_234 : memref<1x128xi32, #tpu.memory_space<vmem>> -> memref<128xi32, #tpu.memory_space<vmem>>
    %dma_wait3A_236 = arith.constant 0 : i32
    %dma_wait3A_237 = arith.constant 0 : i32
    %dma_wait3A_238 = tpu.memref_slice %arg5[%dma_wait3A_236, %dma_wait3A_237] : memref<1000000x32xf32, #tpu.memory_space<hbm>> -> memref<1000000x32xf32, #tpu.memory_space<hbm>>
    tpu.wait_indirect_dma semaphore(%arg18 : memref<!tpu.dma_semaphore, #tpu.memory_space<semaphore_mem>>) src(%dma_wait3A_238 : memref<1000000x32xf32, #tpu.memory_space<hbm>>) dst(%dma_wait3A_232 : memref<128x32xf32, #tpu.memory_space<vmem>>)
    %dma_wait3A_239 = arith.constant 2 : i32
    %dma_wait3A_240 = arith.constant 256 : i32
    %dma_wait3A_241 = tpu.memref_slice %arg14[%dma_wait3A_240] : memref<512xf32, #tpu.memory_space<vmem>> -> memref<128xf32, #tpu.memory_space<vmem>>
    %dma_wait3A_242 = arith.constant 0 : i32
    %dma_wait3A_243 = tpu.memref_slice %arg10[%dma_wait3A_239, %dma_wait3A_242] : memref<4x128xi32, #tpu.memory_space<vmem>> -> memref<1x128xi32, #tpu.memory_space<vmem>>
    %dma_wait3A_244 = tpu.memref_squeeze %dma_wait3A_243 : memref<1x128xi32, #tpu.memory_space<vmem>> -> memref<128xi32, #tpu.memory_space<vmem>>
    %dma_wait3A_245 = arith.constant 0 : i32
    %dma_wait3A_246 = tpu.memref_slice %arg6[%dma_wait3A_245] : memref<1000000xf32, #tpu.memory_space<hbm>> -> memref<1000000xf32, #tpu.memory_space<hbm>>
    tpu.wait_indirect_dma semaphore(%arg18 : memref<!tpu.dma_semaphore, #tpu.memory_space<semaphore_mem>>) src(%dma_wait3A_246 : memref<1000000xf32, #tpu.memory_space<hbm>>) dst(%dma_wait3A_241 : memref<128xf32, #tpu.memory_space<vmem>>)
    %dma_wait3A_247 = arith.constant 2 : i32
    %dma_wait3A_248 = arith.constant 256 : i32
    %dma_wait3A_249 = tpu.memref_slice %arg15[%dma_wait3A_248] : memref<512xf32, #tpu.memory_space<vmem>> -> memref<128xf32, #tpu.memory_space<vmem>>
    %dma_wait3A_250 = arith.constant 0 : i32
    %dma_wait3A_251 = tpu.memref_slice %arg11[%dma_wait3A_247, %dma_wait3A_250] : memref<4x128xi32, #tpu.memory_space<vmem>> -> memref<1x128xi32, #tpu.memory_space<vmem>>
    %dma_wait3A_252 = tpu.memref_squeeze %dma_wait3A_251 : memref<1x128xi32, #tpu.memory_space<vmem>> -> memref<128xi32, #tpu.memory_space<vmem>>
    %dma_wait3A_253 = arith.constant 0 : i32
    %dma_wait3A_254 = tpu.memref_slice %arg7[%dma_wait3A_253] : memref<1000000xf32, #tpu.memory_space<hbm>> -> memref<1000000xf32, #tpu.memory_space<hbm>>
    tpu.wait_indirect_dma semaphore(%arg18 : memref<!tpu.dma_semaphore, #tpu.memory_space<semaphore_mem>>) src(%dma_wait3A_254 : memref<1000000xf32, #tpu.memory_space<hbm>>) dst(%dma_wait3A_249 : memref<128xf32, #tpu.memory_space<vmem>>)
    %dma_wait3A_255 = arith.constant 3 : i32
    %dma_wait3A_256 = arith.constant 384 : i32
    %dma_wait3A_257 = arith.constant 0 : i32
    %dma_wait3A_258 = tpu.memref_slice %arg12[%dma_wait3A_256, %dma_wait3A_257] : memref<512x32xf32, #tpu.memory_space<vmem>> -> memref<128x32xf32, #tpu.memory_space<vmem>>
    %dma_wait3A_259 = arith.constant 0 : i32
    %dma_wait3A_260 = tpu.memref_slice %arg10[%dma_wait3A_255, %dma_wait3A_259] : memref<4x128xi32, #tpu.memory_space<vmem>> -> memref<1x128xi32, #tpu.memory_space<vmem>>
    %dma_wait3A_261 = tpu.memref_squeeze %dma_wait3A_260 : memref<1x128xi32, #tpu.memory_space<vmem>> -> memref<128xi32, #tpu.memory_space<vmem>>
    %dma_wait3A_262 = arith.constant 0 : i32
    %dma_wait3A_263 = arith.constant 0 : i32
    %dma_wait3A_264 = tpu.memref_slice %arg4[%dma_wait3A_262, %dma_wait3A_263] : memref<1000000x32xf32, #tpu.memory_space<hbm>> -> memref<1000000x32xf32, #tpu.memory_space<hbm>>
    tpu.wait_indirect_dma semaphore(%arg18 : memref<!tpu.dma_semaphore, #tpu.memory_space<semaphore_mem>>) src(%dma_wait3A_264 : memref<1000000x32xf32, #tpu.memory_space<hbm>>) dst(%dma_wait3A_258 : memref<128x32xf32, #tpu.memory_space<vmem>>)
    %dma_wait3A_265 = arith.constant 3 : i32
    %dma_wait3A_266 = arith.constant 384 : i32
    %dma_wait3A_267 = arith.constant 0 : i32
    %dma_wait3A_268 = tpu.memref_slice %arg13[%dma_wait3A_266, %dma_wait3A_267] : memref<512x32xf32, #tpu.memory_space<vmem>> -> memref<128x32xf32, #tpu.memory_space<vmem>>
    %dma_wait3A_269 = arith.constant 0 : i32
    %dma_wait3A_270 = tpu.memref_slice %arg11[%dma_wait3A_265, %dma_wait3A_269] : memref<4x128xi32, #tpu.memory_space<vmem>> -> memref<1x128xi32, #tpu.memory_space<vmem>>
    %dma_wait3A_271 = tpu.memref_squeeze %dma_wait3A_270 : memref<1x128xi32, #tpu.memory_space<vmem>> -> memref<128xi32, #tpu.memory_space<vmem>>
    %dma_wait3A_272 = arith.constant 0 : i32
    %dma_wait3A_273 = arith.constant 0 : i32
    %dma_wait3A_274 = tpu.memref_slice %arg5[%dma_wait3A_272, %dma_wait3A_273] : memref<1000000x32xf32, #tpu.memory_space<hbm>> -> memref<1000000x32xf32, #tpu.memory_space<hbm>>
    tpu.wait_indirect_dma semaphore(%arg18 : memref<!tpu.dma_semaphore, #tpu.memory_space<semaphore_mem>>) src(%dma_wait3A_274 : memref<1000000x32xf32, #tpu.memory_space<hbm>>) dst(%dma_wait3A_268 : memref<128x32xf32, #tpu.memory_space<vmem>>)
    %dma_wait3A_275 = arith.constant 3 : i32
    %dma_wait3A_276 = arith.constant 384 : i32
    %dma_wait3A_277 = tpu.memref_slice %arg14[%dma_wait3A_276] : memref<512xf32, #tpu.memory_space<vmem>> -> memref<128xf32, #tpu.memory_space<vmem>>
    %dma_wait3A_278 = arith.constant 0 : i32
    %dma_wait3A_279 = tpu.memref_slice %arg10[%dma_wait3A_275, %dma_wait3A_278] : memref<4x128xi32, #tpu.memory_space<vmem>> -> memref<1x128xi32, #tpu.memory_space<vmem>>
    %dma_wait3A_280 = tpu.memref_squeeze %dma_wait3A_279 : memref<1x128xi32, #tpu.memory_space<vmem>> -> memref<128xi32, #tpu.memory_space<vmem>>
    %dma_wait3A_281 = arith.constant 0 : i32
    %dma_wait3A_282 = tpu.memref_slice %arg6[%dma_wait3A_281] : memref<1000000xf32, #tpu.memory_space<hbm>> -> memref<1000000xf32, #tpu.memory_space<hbm>>
    tpu.wait_indirect_dma semaphore(%arg18 : memref<!tpu.dma_semaphore, #tpu.memory_space<semaphore_mem>>) src(%dma_wait3A_282 : memref<1000000xf32, #tpu.memory_space<hbm>>) dst(%dma_wait3A_277 : memref<128xf32, #tpu.memory_space<vmem>>)
    %dma_wait3A_283 = arith.constant 3 : i32
    %dma_wait3A_284 = arith.constant 384 : i32
    %dma_wait3A_285 = tpu.memref_slice %arg15[%dma_wait3A_284] : memref<512xf32, #tpu.memory_space<vmem>> -> memref<128xf32, #tpu.memory_space<vmem>>
    %dma_wait3A_286 = arith.constant 0 : i32
    %dma_wait3A_287 = tpu.memref_slice %arg11[%dma_wait3A_283, %dma_wait3A_286] : memref<4x128xi32, #tpu.memory_space<vmem>> -> memref<1x128xi32, #tpu.memory_space<vmem>>
    %dma_wait3A_288 = tpu.memref_squeeze %dma_wait3A_287 : memref<1x128xi32, #tpu.memory_space<vmem>> -> memref<128xi32, #tpu.memory_space<vmem>>
    %dma_wait3A_289 = arith.constant 0 : i32
    %dma_wait3A_290 = tpu.memref_slice %arg7[%dma_wait3A_289] : memref<1000000xf32, #tpu.memory_space<hbm>> -> memref<1000000xf32, #tpu.memory_space<hbm>>
    tpu.wait_indirect_dma semaphore(%arg18 : memref<!tpu.dma_semaphore, #tpu.memory_space<semaphore_mem>>) src(%dma_wait3A_290 : memref<1000000xf32, #tpu.memory_space<hbm>>) dst(%dma_wait3A_285 : memref<128xf32, #tpu.memory_space<vmem>>)
    %get3A = arith.constant 0 : index
    %get3A_291 = tpu.vector_load %arg16[%get3A] {strides = array<i32>} : memref<16xf32, #tpu.memory_space<vmem>>, vector<16xf32>,
    %iota3A = tpu.iota {dimensions = array<i32: 0>} : vector<16xi32>
    %scan3A = arith.constant 0 : i32
    %scan3A_292 = arith.constant 0 : i32
    %scan3A_293 = arith.constant 32 : i32
    %scan3A_294 = arith.addi %scan3A_292, %scan3A_293 : i32
    %scan3A_295 = arith.constant 1 : i32
    scf.for %scan3A_297 = %scan3A_292 to %scan3A_294 step %scan3A_295  : i32 {
      %mul3A_298 = arith.constant 16 : i32
      %mul3A_299 = arith.muli %scan3A_297, %mul3A_298 : i32
      %broadcast_in_dim3A = arith.constant 0.000000e+00 : f32
      %broadcast_in_dim3A_300 = vector.broadcast %broadcast_in_dim3A : f32 to vector<16xf32>
      %add3A_301 = arith.constant 0 : i32
      %add3A_302 = arith.addi %mul3A_299, %add3A_301 : i32
      %get3A_303 = arith.index_cast %add3A_302 : i32 to index
      %get3A_304 = arith.constant 0 : index
      %get3A_305 = tpu.vector_load %arg12[%get3A_303, %get3A_304] {strides = array<i32>} : memref<512x32xf32, #tpu.memory_space<vmem>>, vector<16xf32>,
      %get3A_306 = arith.index_cast %add3A_302 : i32 to index
      %get3A_307 = arith.constant 16 : index
      %get3A_308 = tpu.vector_load %arg12[%get3A_306, %get3A_307] {strides = array<i32>} : memref<512x32xf32, #tpu.memory_space<vmem>>, vector<16xf32>,
      %get3A_309 = arith.index_cast %add3A_302 : i32 to index
      %get3A_310 = arith.constant 0 : index
      %get3A_311 = tpu.vector_load %arg13[%get3A_309, %get3A_310] {strides = array<i32>} : memref<512x32xf32, #tpu.memory_space<vmem>>, vector<16xf32>,
      %get3A_312 = arith.index_cast %add3A_302 : i32 to index
      %get3A_313 = arith.constant 16 : index
      %get3A_314 = tpu.vector_load %arg13[%get3A_312, %get3A_313] {strides = array<i32>} : memref<512x32xf32, #tpu.memory_space<vmem>>, vector<16xf32>,
      %mul3A_315 = arith.mulf %get3A_305, %get3A_311 : vector<16xf32>
      %mul3A_316 = arith.mulf %get3A_308, %get3A_314 : vector<16xf32>
      %add3A_317 = arith.addf %mul3A_315, %mul3A_316 : vector<16xf32>
      %reduce_sum3A = arith.constant true
      %reduce_sum3A_318 = vector.broadcast %reduce_sum3A : i1 to vector<16xi1>
      %reduce_sum3A_319 = tpu.scan <sum>, %add3A_317 masked %reduce_sum3A_318 : vector<16xf32>, vector<16xi1> -> vector<16xf32>
      %reduce_sum3A_320 = vector.extract %reduce_sum3A_319[15] : f32 from vector<16xf32>
      %eq3A = arith.constant 0 : i32
      %eq3A_321 = vector.broadcast %eq3A : i32 to vector<16xi32>
      %eq3A_322 = arith.cmpi eq, %iota3A, %eq3A_321 : vector<16xi32>
      %broadcast_in_dim3A_323 = vector.broadcast %reduce_sum3A_320 : f32 to vector<16xf32>
      %select_n3A = arith.select %eq3A_322, %broadcast_in_dim3A_323, %broadcast_in_dim3A_300 : vector<16xi1>, vector<16xf32>
      %add3A_324 = arith.constant 1 : i32
      %add3A_325 = arith.addi %mul3A_299, %add3A_324 : i32
      %get3A_326 = arith.index_cast %add3A_325 : i32 to index
      %get3A_327 = arith.constant 0 : index
      %get3A_328 = tpu.vector_load %arg12[%get3A_326, %get3A_327] {strides = array<i32>} : memref<512x32xf32, #tpu.memory_space<vmem>>, vector<16xf32>,
      %get3A_329 = arith.index_cast %add3A_325 : i32 to index
      %get3A_330 = arith.constant 16 : index
      %get3A_331 = tpu.vector_load %arg12[%get3A_329, %get3A_330] {strides = array<i32>} : memref<512x32xf32, #tpu.memory_space<vmem>>, vector<16xf32>,
      %get3A_332 = arith.index_cast %add3A_325 : i32 to index
      %get3A_333 = arith.constant 0 : index
      %get3A_334 = tpu.vector_load %arg13[%get3A_332, %get3A_333] {strides = array<i32>} : memref<512x32xf32, #tpu.memory_space<vmem>>, vector<16xf32>,
      %get3A_335 = arith.index_cast %add3A_325 : i32 to index
      %get3A_336 = arith.constant 16 : index
      %get3A_337 = tpu.vector_load %arg13[%get3A_335, %get3A_336] {strides = array<i32>} : memref<512x32xf32, #tpu.memory_space<vmem>>, vector<16xf32>,
      %mul3A_338 = arith.mulf %get3A_328, %get3A_334 : vector<16xf32>
      %mul3A_339 = arith.mulf %get3A_331, %get3A_337 : vector<16xf32>
      %add3A_340 = arith.addf %mul3A_338, %mul3A_339 : vector<16xf32>
      %reduce_sum3A_341 = arith.constant true
      %reduce_sum3A_342 = vector.broadcast %reduce_sum3A_341 : i1 to vector<16xi1>
      %reduce_sum3A_343 = tpu.scan <sum>, %add3A_340 masked %reduce_sum3A_342 : vector<16xf32>, vector<16xi1> -> vector<16xf32>
      %reduce_sum3A_344 = vector.extract %reduce_sum3A_343[15] : f32 from vector<16xf32>
      %eq3A_345 = arith.constant 1 : i32
      %eq3A_346 = vector.broadcast %eq3A_345 : i32 to vector<16xi32>
      %eq3A_347 = arith.cmpi eq, %iota3A, %eq3A_346 : vector<16xi32>
      %broadcast_in_dim3A_348 = vector.broadcast %reduce_sum3A_344 : f32 to vector<16xf32>
      %select_n3A_349 = arith.select %eq3A_347, %broadcast_in_dim3A_348, %select_n3A : vector<16xi1>, vector<16xf32>
      %add3A_350 = arith.constant 2 : i32
      %add3A_351 = arith.addi %mul3A_299, %add3A_350 : i32
      %get3A_352 = arith.index_cast %add3A_351 : i32 to index
      %get3A_353 = arith.constant 0 : index
      %get3A_354 = tpu.vector_load %arg12[%get3A_352, %get3A_353] {strides = array<i32>} : memref<512x32xf32, #tpu.memory_space<vmem>>, vector<16xf32>,
      %get3A_355 = arith.index_cast %add3A_351 : i32 to index
      %get3A_356 = arith.constant 16 : index
      %get3A_357 = tpu.vector_load %arg12[%get3A_355, %get3A_356] {strides = array<i32>} : memref<512x32xf32, #tpu.memory_space<vmem>>, vector<16xf32>,
      %get3A_358 = arith.index_cast %add3A_351 : i32 to index
      %get3A_359 = arith.constant 0 : index
      %get3A_360 = tpu.vector_load %arg13[%get3A_358, %get3A_359] {strides = array<i32>} : memref<512x32xf32, #tpu.memory_space<vmem>>, vector<16xf32>,
      %get3A_361 = arith.index_cast %add3A_351 : i32 to index
      %get3A_362 = arith.constant 16 : index
      %get3A_363 = tpu.vector_load %arg13[%get3A_361, %get3A_362] {strides = array<i32>} : memref<512x32xf32, #tpu.memory_space<vmem>>, vector<16xf32>,
      %mul3A_364 = arith.mulf %get3A_354, %get3A_360 : vector<16xf32>
      %mul3A_365 = arith.mulf %get3A_357, %get3A_363 : vector<16xf32>
      %add3A_366 = arith.addf %mul3A_364, %mul3A_365 : vector<16xf32>
      %reduce_sum3A_367 = arith.constant true
      %reduce_sum3A_368 = vector.broadcast %reduce_sum3A_367 : i1 to vector<16xi1>
      %reduce_sum3A_369 = tpu.scan <sum>, %add3A_366 masked %reduce_sum3A_368 : vector<16xf32>, vector<16xi1> -> vector<16xf32>
      %reduce_sum3A_370 = vector.extract %reduce_sum3A_369[15] : f32 from vector<16xf32>
      %eq3A_371 = arith.constant 2 : i32
      %eq3A_372 = vector.broadcast %eq3A_371 : i32 to vector<16xi32>
      %eq3A_373 = arith.cmpi eq, %iota3A, %eq3A_372 : vector<16xi32>
      %broadcast_in_dim3A_374 = vector.broadcast %reduce_sum3A_370 : f32 to vector<16xf32>
      %select_n3A_375 = arith.select %eq3A_373, %broadcast_in_dim3A_374, %select_n3A_349 : vector<16xi1>, vector<16xf32>
      %add3A_376 = arith.constant 3 : i32
      %add3A_377 = arith.addi %mul3A_299, %add3A_376 : i32
      %get3A_378 = arith.index_cast %add3A_377 : i32 to index
      %get3A_379 = arith.constant 0 : index
      %get3A_380 = tpu.vector_load %arg12[%get3A_378, %get3A_379] {strides = array<i32>} : memref<512x32xf32, #tpu.memory_space<vmem>>, vector<16xf32>,
      %get3A_381 = arith.index_cast %add3A_377 : i32 to index
      %get3A_382 = arith.constant 16 : index
      %get3A_383 = tpu.vector_load %arg12[%get3A_381, %get3A_382] {strides = array<i32>} : memref<512x32xf32, #tpu.memory_space<vmem>>, vector<16xf32>,
      %get3A_384 = arith.index_cast %add3A_377 : i32 to index
      %get3A_385 = arith.constant 0 : index
      %get3A_386 = tpu.vector_load %arg13[%get3A_384, %get3A_385] {strides = array<i32>} : memref<512x32xf32, #tpu.memory_space<vmem>>, vector<16xf32>,
      %get3A_387 = arith.index_cast %add3A_377 : i32 to index
      %get3A_388 = arith.constant 16 : index
      %get3A_389 = tpu.vector_load %arg13[%get3A_387, %get3A_388] {strides = array<i32>} : memref<512x32xf32, #tpu.memory_space<vmem>>, vector<16xf32>,
      %mul3A_390 = arith.mulf %get3A_380, %get3A_386 : vector<16xf32>
      %mul3A_391 = arith.mulf %get3A_383, %get3A_389 : vector<16xf32>
      %add3A_392 = arith.addf %mul3A_390, %mul3A_391 : vector<16xf32>
      %reduce_sum3A_393 = arith.constant true
      %reduce_sum3A_394 = vector.broadcast %reduce_sum3A_393 : i1 to vector<16xi1>
      %reduce_sum3A_395 = tpu.scan <sum>, %add3A_392 masked %reduce_sum3A_394 : vector<16xf32>, vector<16xi1> -> vector<16xf32>
      %reduce_sum3A_396 = vector.extract %reduce_sum3A_395[15] : f32 from vector<16xf32>
      %eq3A_397 = arith.constant 3 : i32
      %eq3A_398 = vector.broadcast %eq3A_397 : i32 to vector<16xi32>
      %eq3A_399 = arith.cmpi eq, %iota3A, %eq3A_398 : vector<16xi32>
      %broadcast_in_dim3A_400 = vector.broadcast %reduce_sum3A_396 : f32 to vector<16xf32>
      %select_n3A_401 = arith.select %eq3A_399, %broadcast_in_dim3A_400, %select_n3A_375 : vector<16xi1>, vector<16xf32>
      %add3A_402 = arith.constant 4 : i32
      %add3A_403 = arith.addi %mul3A_299, %add3A_402 : i32
      %get3A_404 = arith.index_cast %add3A_403 : i32 to index
      %get3A_405 = arith.constant 0 : index
      %get3A_406 = tpu.vector_load %arg12[%get3A_404, %get3A_405] {strides = array<i32>} : memref<512x32xf32, #tpu.memory_space<vmem>>, vector<16xf32>,
      %get3A_407 = arith.index_cast %add3A_403 : i32 to index
      %get3A_408 = arith.constant 16 : index
      %get3A_409 = tpu.vector_load %arg12[%get3A_407, %get3A_408] {strides = array<i32>} : memref<512x32xf32, #tpu.memory_space<vmem>>, vector<16xf32>,
      %get3A_410 = arith.index_cast %add3A_403 : i32 to index
      %get3A_411 = arith.constant 0 : index
      %get3A_412 = tpu.vector_load %arg13[%get3A_410, %get3A_411] {strides = array<i32>} : memref<512x32xf32, #tpu.memory_space<vmem>>, vector<16xf32>,
      %get3A_413 = arith.index_cast %add3A_403 : i32 to index
      %get3A_414 = arith.constant 16 : index
      %get3A_415 = tpu.vector_load %arg13[%get3A_413, %get3A_414] {strides = array<i32>} : memref<512x32xf32, #tpu.memory_space<vmem>>, vector<16xf32>,
      %mul3A_416 = arith.mulf %get3A_406, %get3A_412 : vector<16xf32>
      %mul3A_417 = arith.mulf %get3A_409, %get3A_415 : vector<16xf32>
      %add3A_418 = arith.addf %mul3A_416, %mul3A_417 : vector<16xf32>
      %reduce_sum3A_419 = arith.constant true
      %reduce_sum3A_420 = vector.broadcast %reduce_sum3A_419 : i1 to vector<16xi1>
      %reduce_sum3A_421 = tpu.scan <sum>, %add3A_418 masked %reduce_sum3A_420 : vector<16xf32>, vector<16xi1> -> vector<16xf32>
      %reduce_sum3A_422 = vector.extract %reduce_sum3A_421[15] : f32 from vector<16xf32>
      %eq3A_423 = arith.constant 4 : i32
      %eq3A_424 = vector.broadcast %eq3A_423 : i32 to vector<16xi32>
      %eq3A_425 = arith.cmpi eq, %iota3A, %eq3A_424 : vector<16xi32>
      %broadcast_in_dim3A_426 = vector.broadcast %reduce_sum3A_422 : f32 to vector<16xf32>
      %select_n3A_427 = arith.select %eq3A_425, %broadcast_in_dim3A_426, %select_n3A_401 : vector<16xi1>, vector<16xf32>
      %add3A_428 = arith.constant 5 : i32
      %add3A_429 = arith.addi %mul3A_299, %add3A_428 : i32
      %get3A_430 = arith.index_cast %add3A_429 : i32 to index
      %get3A_431 = arith.constant 0 : index
      %get3A_432 = tpu.vector_load %arg12[%get3A_430, %get3A_431] {strides = array<i32>} : memref<512x32xf32, #tpu.memory_space<vmem>>, vector<16xf32>,
      %get3A_433 = arith.index_cast %add3A_429 : i32 to index
      %get3A_434 = arith.constant 16 : index
      %get3A_435 = tpu.vector_load %arg12[%get3A_433, %get3A_434] {strides = array<i32>} : memref<512x32xf32, #tpu.memory_space<vmem>>, vector<16xf32>,
      %get3A_436 = arith.index_cast %add3A_429 : i32 to index
      %get3A_437 = arith.constant 0 : index
      %get3A_438 = tpu.vector_load %arg13[%get3A_436, %get3A_437] {strides = array<i32>} : memref<512x32xf32, #tpu.memory_space<vmem>>, vector<16xf32>,
      %get3A_439 = arith.index_cast %add3A_429 : i32 to index
      %get3A_440 = arith.constant 16 : index
      %get3A_441 = tpu.vector_load %arg13[%get3A_439, %get3A_440] {strides = array<i32>} : memref<512x32xf32, #tpu.memory_space<vmem>>, vector<16xf32>,
      %mul3A_442 = arith.mulf %get3A_432, %get3A_438 : vector<16xf32>
      %mul3A_443 = arith.mulf %get3A_435, %get3A_441 : vector<16xf32>
      %add3A_444 = arith.addf %mul3A_442, %mul3A_443 : vector<16xf32>
      %reduce_sum3A_445 = arith.constant true
      %reduce_sum3A_446 = vector.broadcast %reduce_sum3A_445 : i1 to vector<16xi1>
      %reduce_sum3A_447 = tpu.scan <sum>, %add3A_444 masked %reduce_sum3A_446 : vector<16xf32>, vector<16xi1> -> vector<16xf32>
      %reduce_sum3A_448 = vector.extract %reduce_sum3A_447[15] : f32 from vector<16xf32>
      %eq3A_449 = arith.constant 5 : i32
      %eq3A_450 = vector.broadcast %eq3A_449 : i32 to vector<16xi32>
      %eq3A_451 = arith.cmpi eq, %iota3A, %eq3A_450 : vector<16xi32>
      %broadcast_in_dim3A_452 = vector.broadcast %reduce_sum3A_448 : f32 to vector<16xf32>
      %select_n3A_453 = arith.select %eq3A_451, %broadcast_in_dim3A_452, %select_n3A_427 : vector<16xi1>, vector<16xf32>
      %add3A_454 = arith.constant 6 : i32
      %add3A_455 = arith.addi %mul3A_299, %add3A_454 : i32
      %get3A_456 = arith.index_cast %add3A_455 : i32 to index
      %get3A_457 = arith.constant 0 : index
      %get3A_458 = tpu.vector_load %arg12[%get3A_456, %get3A_457] {strides = array<i32>} : memref<512x32xf32, #tpu.memory_space<vmem>>, vector<16xf32>,
      %get3A_459 = arith.index_cast %add3A_455 : i32 to index
      %get3A_460 = arith.constant 16 : index
      %get3A_461 = tpu.vector_load %arg12[%get3A_459, %get3A_460] {strides = array<i32>} : memref<512x32xf32, #tpu.memory_space<vmem>>, vector<16xf32>,
      %get3A_462 = arith.index_cast %add3A_455 : i32 to index
      %get3A_463 = arith.constant 0 : index
      %get3A_464 = tpu.vector_load %arg13[%get3A_462, %get3A_463] {strides = array<i32>} : memref<512x32xf32, #tpu.memory_space<vmem>>, vector<16xf32>,
      %get3A_465 = arith.index_cast %add3A_455 : i32 to index
      %get3A_466 = arith.constant 16 : index
      %get3A_467 = tpu.vector_load %arg13[%get3A_465, %get3A_466] {strides = array<i32>} : memref<512x32xf32, #tpu.memory_space<vmem>>, vector<16xf32>,
      %mul3A_468 = arith.mulf %get3A_458, %get3A_464 : vector<16xf32>
      %mul3A_469 = arith.mulf %get3A_461, %get3A_467 : vector<16xf32>
      %add3A_470 = arith.addf %mul3A_468, %mul3A_469 : vector<16xf32>
      %reduce_sum3A_471 = arith.constant true
      %reduce_sum3A_472 = vector.broadcast %reduce_sum3A_471 : i1 to vector<16xi1>
      %reduce_sum3A_473 = tpu.scan <sum>, %add3A_470 masked %reduce_sum3A_472 : vector<16xf32>, vector<16xi1> -> vector<16xf32>
      %reduce_sum3A_474 = vector.extract %reduce_sum3A_473[15] : f32 from vector<16xf32>
      %eq3A_475 = arith.constant 6 : i32
      %eq3A_476 = vector.broadcast %eq3A_475 : i32 to vector<16xi32>
      %eq3A_477 = arith.cmpi eq, %iota3A, %eq3A_476 : vector<16xi32>
      %broadcast_in_dim3A_478 = vector.broadcast %reduce_sum3A_474 : f32 to vector<16xf32>
      %select_n3A_479 = arith.select %eq3A_477, %broadcast_in_dim3A_478, %select_n3A_453 : vector<16xi1>, vector<16xf32>
      %add3A_480 = arith.constant 7 : i32
      %add3A_481 = arith.addi %mul3A_299, %add3A_480 : i32
      %get3A_482 = arith.index_cast %add3A_481 : i32 to index
      %get3A_483 = arith.constant 0 : index
      %get3A_484 = tpu.vector_load %arg12[%get3A_482, %get3A_483] {strides = array<i32>} : memref<512x32xf32, #tpu.memory_space<vmem>>, vector<16xf32>,
      %get3A_485 = arith.index_cast %add3A_481 : i32 to index
      %get3A_486 = arith.constant 16 : index
      %get3A_487 = tpu.vector_load %arg12[%get3A_485, %get3A_486] {strides = array<i32>} : memref<512x32xf32, #tpu.memory_space<vmem>>, vector<16xf32>,
      %get3A_488 = arith.index_cast %add3A_481 : i32 to index
      %get3A_489 = arith.constant 0 : index
      %get3A_490 = tpu.vector_load %arg13[%get3A_488, %get3A_489] {strides = array<i32>} : memref<512x32xf32, #tpu.memory_space<vmem>>, vector<16xf32>,
      %get3A_491 = arith.index_cast %add3A_481 : i32 to index
      %get3A_492 = arith.constant 16 : index
      %get3A_493 = tpu.vector_load %arg13[%get3A_491, %get3A_492] {strides = array<i32>} : memref<512x32xf32, #tpu.memory_space<vmem>>, vector<16xf32>,
      %mul3A_494 = arith.mulf %get3A_484, %get3A_490 : vector<16xf32>
      %mul3A_495 = arith.mulf %get3A_487, %get3A_493 : vector<16xf32>
      %add3A_496 = arith.addf %mul3A_494, %mul3A_495 : vector<16xf32>
      %reduce_sum3A_497 = arith.constant true
      %reduce_sum3A_498 = vector.broadcast %reduce_sum3A_497 : i1 to vector<16xi1>
      %reduce_sum3A_499 = tpu.scan <sum>, %add3A_496 masked %reduce_sum3A_498 : vector<16xf32>, vector<16xi1> -> vector<16xf32>
      %reduce_sum3A_500 = vector.extract %reduce_sum3A_499[15] : f32 from vector<16xf32>
      %eq3A_501 = arith.constant 7 : i32
      %eq3A_502 = vector.broadcast %eq3A_501 : i32 to vector<16xi32>
      %eq3A_503 = arith.cmpi eq, %iota3A, %eq3A_502 : vector<16xi32>
      %broadcast_in_dim3A_504 = vector.broadcast %reduce_sum3A_500 : f32 to vector<16xf32>
      %select_n3A_505 = arith.select %eq3A_503, %broadcast_in_dim3A_504, %select_n3A_479 : vector<16xi1>, vector<16xf32>
      %add3A_506 = arith.constant 8 : i32
      %add3A_507 = arith.addi %mul3A_299, %add3A_506 : i32
      %get3A_508 = arith.index_cast %add3A_507 : i32 to index
      %get3A_509 = arith.constant 0 : index
      %get3A_510 = tpu.vector_load %arg12[%get3A_508, %get3A_509] {strides = array<i32>} : memref<512x32xf32, #tpu.memory_space<vmem>>, vector<16xf32>,
      %get3A_511 = arith.index_cast %add3A_507 : i32 to index
      %get3A_512 = arith.constant 16 : index
      %get3A_513 = tpu.vector_load %arg12[%get3A_511, %get3A_512] {strides = array<i32>} : memref<512x32xf32, #tpu.memory_space<vmem>>, vector<16xf32>,
      %get3A_514 = arith.index_cast %add3A_507 : i32 to index
      %get3A_515 = arith.constant 0 : index
      %get3A_516 = tpu.vector_load %arg13[%get3A_514, %get3A_515] {strides = array<i32>} : memref<512x32xf32, #tpu.memory_space<vmem>>, vector<16xf32>,
      %get3A_517 = arith.index_cast %add3A_507 : i32 to index
      %get3A_518 = arith.constant 16 : index
      %get3A_519 = tpu.vector_load %arg13[%get3A_517, %get3A_518] {strides = array<i32>} : memref<512x32xf32, #tpu.memory_space<vmem>>, vector<16xf32>,
      %mul3A_520 = arith.mulf %get3A_510, %get3A_516 : vector<16xf32>
      %mul3A_521 = arith.mulf %get3A_513, %get3A_519 : vector<16xf32>
      %add3A_522 = arith.addf %mul3A_520, %mul3A_521 : vector<16xf32>
      %reduce_sum3A_523 = arith.constant true
      %reduce_sum3A_524 = vector.broadcast %reduce_sum3A_523 : i1 to vector<16xi1>
      %reduce_sum3A_525 = tpu.scan <sum>, %add3A_522 masked %reduce_sum3A_524 : vector<16xf32>, vector<16xi1> -> vector<16xf32>
      %reduce_sum3A_526 = vector.extract %reduce_sum3A_525[15] : f32 from vector<16xf32>
      %eq3A_527 = arith.constant 8 : i32
      %eq3A_528 = vector.broadcast %eq3A_527 : i32 to vector<16xi32>
      %eq3A_529 = arith.cmpi eq, %iota3A, %eq3A_528 : vector<16xi32>
      %broadcast_in_dim3A_530 = vector.broadcast %reduce_sum3A_526 : f32 to vector<16xf32>
      %select_n3A_531 = arith.select %eq3A_529, %broadcast_in_dim3A_530, %select_n3A_505 : vector<16xi1>, vector<16xf32>
      %add3A_532 = arith.constant 9 : i32
      %add3A_533 = arith.addi %mul3A_299, %add3A_532 : i32
      %get3A_534 = arith.index_cast %add3A_533 : i32 to index
      %get3A_535 = arith.constant 0 : index
      %get3A_536 = tpu.vector_load %arg12[%get3A_534, %get3A_535] {strides = array<i32>} : memref<512x32xf32, #tpu.memory_space<vmem>>, vector<16xf32>,
      %get3A_537 = arith.index_cast %add3A_533 : i32 to index
      %get3A_538 = arith.constant 16 : index
      %get3A_539 = tpu.vector_load %arg12[%get3A_537, %get3A_538] {strides = array<i32>} : memref<512x32xf32, #tpu.memory_space<vmem>>, vector<16xf32>,
      %get3A_540 = arith.index_cast %add3A_533 : i32 to index
      %get3A_541 = arith.constant 0 : index
      %get3A_542 = tpu.vector_load %arg13[%get3A_540, %get3A_541] {strides = array<i32>} : memref<512x32xf32, #tpu.memory_space<vmem>>, vector<16xf32>,
      %get3A_543 = arith.index_cast %add3A_533 : i32 to index
      %get3A_544 = arith.constant 16 : index
      %get3A_545 = tpu.vector_load %arg13[%get3A_543, %get3A_544] {strides = array<i32>} : memref<512x32xf32, #tpu.memory_space<vmem>>, vector<16xf32>,
      %mul3A_546 = arith.mulf %get3A_536, %get3A_542 : vector<16xf32>
      %mul3A_547 = arith.mulf %get3A_539, %get3A_545 : vector<16xf32>
      %add3A_548 = arith.addf %mul3A_546, %mul3A_547 : vector<16xf32>
      %reduce_sum3A_549 = arith.constant true
      %reduce_sum3A_550 = vector.broadcast %reduce_sum3A_549 : i1 to vector<16xi1>
      %reduce_sum3A_551 = tpu.scan <sum>, %add3A_548 masked %reduce_sum3A_550 : vector<16xf32>, vector<16xi1> -> vector<16xf32>
      %reduce_sum3A_552 = vector.extract %reduce_sum3A_551[15] : f32 from vector<16xf32>
      %eq3A_553 = arith.constant 9 : i32
      %eq3A_554 = vector.broadcast %eq3A_553 : i32 to vector<16xi32>
      %eq3A_555 = arith.cmpi eq, %iota3A, %eq3A_554 : vector<16xi32>
      %broadcast_in_dim3A_556 = vector.broadcast %reduce_sum3A_552 : f32 to vector<16xf32>
      %select_n3A_557 = arith.select %eq3A_555, %broadcast_in_dim3A_556, %select_n3A_531 : vector<16xi1>, vector<16xf32>
      %add3A_558 = arith.constant 10 : i32
      %add3A_559 = arith.addi %mul3A_299, %add3A_558 : i32
      %get3A_560 = arith.index_cast %add3A_559 : i32 to index
      %get3A_561 = arith.constant 0 : index
      %get3A_562 = tpu.vector_load %arg12[%get3A_560, %get3A_561] {strides = array<i32>} : memref<512x32xf32, #tpu.memory_space<vmem>>, vector<16xf32>,
      %get3A_563 = arith.index_cast %add3A_559 : i32 to index
      %get3A_564 = arith.constant 16 : index
      %get3A_565 = tpu.vector_load %arg12[%get3A_563, %get3A_564] {strides = array<i32>} : memref<512x32xf32, #tpu.memory_space<vmem>>, vector<16xf32>,
      %get3A_566 = arith.index_cast %add3A_559 : i32 to index
      %get3A_567 = arith.constant 0 : index
      %get3A_568 = tpu.vector_load %arg13[%get3A_566, %get3A_567] {strides = array<i32>} : memref<512x32xf32, #tpu.memory_space<vmem>>, vector<16xf32>,
      %get3A_569 = arith.index_cast %add3A_559 : i32 to index
      %get3A_570 = arith.constant 16 : index
      %get3A_571 = tpu.vector_load %arg13[%get3A_569, %get3A_570] {strides = array<i32>} : memref<512x32xf32, #tpu.memory_space<vmem>>, vector<16xf32>,
      %mul3A_572 = arith.mulf %get3A_562, %get3A_568 : vector<16xf32>
      %mul3A_573 = arith.mulf %get3A_565, %get3A_571 : vector<16xf32>
      %add3A_574 = arith.addf %mul3A_572, %mul3A_573 : vector<16xf32>
      %reduce_sum3A_575 = arith.constant true
      %reduce_sum3A_576 = vector.broadcast %reduce_sum3A_575 : i1 to vector<16xi1>
      %reduce_sum3A_577 = tpu.scan <sum>, %add3A_574 masked %reduce_sum3A_576 : vector<16xf32>, vector<16xi1> -> vector<16xf32>
      %reduce_sum3A_578 = vector.extract %reduce_sum3A_577[15] : f32 from vector<16xf32>
      %eq3A_579 = arith.constant 10 : i32
      %eq3A_580 = vector.broadcast %eq3A_579 : i32 to vector<16xi32>
      %eq3A_581 = arith.cmpi eq, %iota3A, %eq3A_580 : vector<16xi32>
      %broadcast_in_dim3A_582 = vector.broadcast %reduce_sum3A_578 : f32 to vector<16xf32>
      %select_n3A_583 = arith.select %eq3A_581, %broadcast_in_dim3A_582, %select_n3A_557 : vector<16xi1>, vector<16xf32>
      %add3A_584 = arith.constant 11 : i32
      %add3A_585 = arith.addi %mul3A_299, %add3A_584 : i32
      %get3A_586 = arith.index_cast %add3A_585 : i32 to index
      %get3A_587 = arith.constant 0 : index
      %get3A_588 = tpu.vector_load %arg12[%get3A_586, %get3A_587] {strides = array<i32>} : memref<512x32xf32, #tpu.memory_space<vmem>>, vector<16xf32>,
      %get3A_589 = arith.index_cast %add3A_585 : i32 to index
      %get3A_590 = arith.constant 16 : index
      %get3A_591 = tpu.vector_load %arg12[%get3A_589, %get3A_590] {strides = array<i32>} : memref<512x32xf32, #tpu.memory_space<vmem>>, vector<16xf32>,
      %get3A_592 = arith.index_cast %add3A_585 : i32 to index
      %get3A_593 = arith.constant 0 : index
      %get3A_594 = tpu.vector_load %arg13[%get3A_592, %get3A_593] {strides = array<i32>} : memref<512x32xf32, #tpu.memory_space<vmem>>, vector<16xf32>,
      %get3A_595 = arith.index_cast %add3A_585 : i32 to index
      %get3A_596 = arith.constant 16 : index
      %get3A_597 = tpu.vector_load %arg13[%get3A_595, %get3A_596] {strides = array<i32>} : memref<512x32xf32, #tpu.memory_space<vmem>>, vector<16xf32>,
      %mul3A_598 = arith.mulf %get3A_588, %get3A_594 : vector<16xf32>
      %mul3A_599 = arith.mulf %get3A_591, %get3A_597 : vector<16xf32>
      %add3A_600 = arith.addf %mul3A_598, %mul3A_599 : vector<16xf32>
      %reduce_sum3A_601 = arith.constant true
      %reduce_sum3A_602 = vector.broadcast %reduce_sum3A_601 : i1 to vector<16xi1>
      %reduce_sum3A_603 = tpu.scan <sum>, %add3A_600 masked %reduce_sum3A_602 : vector<16xf32>, vector<16xi1> -> vector<16xf32>
      %reduce_sum3A_604 = vector.extract %reduce_sum3A_603[15] : f32 from vector<16xf32>
      %eq3A_605 = arith.constant 11 : i32
      %eq3A_606 = vector.broadcast %eq3A_605 : i32 to vector<16xi32>
      %eq3A_607 = arith.cmpi eq, %iota3A, %eq3A_606 : vector<16xi32>
      %broadcast_in_dim3A_608 = vector.broadcast %reduce_sum3A_604 : f32 to vector<16xf32>
      %select_n3A_609 = arith.select %eq3A_607, %broadcast_in_dim3A_608, %select_n3A_583 : vector<16xi1>, vector<16xf32>
      %add3A_610 = arith.constant 12 : i32
      %add3A_611 = arith.addi %mul3A_299, %add3A_610 : i32
      %get3A_612 = arith.index_cast %add3A_611 : i32 to index
      %get3A_613 = arith.constant 0 : index
      %get3A_614 = tpu.vector_load %arg12[%get3A_612, %get3A_613] {strides = array<i32>} : memref<512x32xf32, #tpu.memory_space<vmem>>, vector<16xf32>,
      %get3A_615 = arith.index_cast %add3A_611 : i32 to index
      %get3A_616 = arith.constant 16 : index
      %get3A_617 = tpu.vector_load %arg12[%get3A_615, %get3A_616] {strides = array<i32>} : memref<512x32xf32, #tpu.memory_space<vmem>>, vector<16xf32>,
      %get3A_618 = arith.index_cast %add3A_611 : i32 to index
      %get3A_619 = arith.constant 0 : index
      %get3A_620 = tpu.vector_load %arg13[%get3A_618, %get3A_619] {strides = array<i32>} : memref<512x32xf32, #tpu.memory_space<vmem>>, vector<16xf32>,
      %get3A_621 = arith.index_cast %add3A_611 : i32 to index
      %get3A_622 = arith.constant 16 : index
      %get3A_623 = tpu.vector_load %arg13[%get3A_621, %get3A_622] {strides = array<i32>} : memref<512x32xf32, #tpu.memory_space<vmem>>, vector<16xf32>,
      %mul3A_624 = arith.mulf %get3A_614, %get3A_620 : vector<16xf32>
      %mul3A_625 = arith.mulf %get3A_617, %get3A_623 : vector<16xf32>
      %add3A_626 = arith.addf %mul3A_624, %mul3A_625 : vector<16xf32>
      %reduce_sum3A_627 = arith.constant true
      %reduce_sum3A_628 = vector.broadcast %reduce_sum3A_627 : i1 to vector<16xi1>
      %reduce_sum3A_629 = tpu.scan <sum>, %add3A_626 masked %reduce_sum3A_628 : vector<16xf32>, vector<16xi1> -> vector<16xf32>
      %reduce_sum3A_630 = vector.extract %reduce_sum3A_629[15] : f32 from vector<16xf32>
      %eq3A_631 = arith.constant 12 : i32
      %eq3A_632 = vector.broadcast %eq3A_631 : i32 to vector<16xi32>
      %eq3A_633 = arith.cmpi eq, %iota3A, %eq3A_632 : vector<16xi32>
      %broadcast_in_dim3A_634 = vector.broadcast %reduce_sum3A_630 : f32 to vector<16xf32>
      %select_n3A_635 = arith.select %eq3A_633, %broadcast_in_dim3A_634, %select_n3A_609 : vector<16xi1>, vector<16xf32>
      %add3A_636 = arith.constant 13 : i32
      %add3A_637 = arith.addi %mul3A_299, %add3A_636 : i32
      %get3A_638 = arith.index_cast %add3A_637 : i32 to index
      %get3A_639 = arith.constant 0 : index
      %get3A_640 = tpu.vector_load %arg12[%get3A_638, %get3A_639] {strides = array<i32>} : memref<512x32xf32, #tpu.memory_space<vmem>>, vector<16xf32>,
      %get3A_641 = arith.index_cast %add3A_637 : i32 to index
      %get3A_642 = arith.constant 16 : index
      %get3A_643 = tpu.vector_load %arg12[%get3A_641, %get3A_642] {strides = array<i32>} : memref<512x32xf32, #tpu.memory_space<vmem>>, vector<16xf32>,
      %get3A_644 = arith.index_cast %add3A_637 : i32 to index
      %get3A_645 = arith.constant 0 : index
      %get3A_646 = tpu.vector_load %arg13[%get3A_644, %get3A_645] {strides = array<i32>} : memref<512x32xf32, #tpu.memory_space<vmem>>, vector<16xf32>,
      %get3A_647 = arith.index_cast %add3A_637 : i32 to index
      %get3A_648 = arith.constant 16 : index
      %get3A_649 = tpu.vector_load %arg13[%get3A_647, %get3A_648] {strides = array<i32>} : memref<512x32xf32, #tpu.memory_space<vmem>>, vector<16xf32>,
      %mul3A_650 = arith.mulf %get3A_640, %get3A_646 : vector<16xf32>
      %mul3A_651 = arith.mulf %get3A_643, %get3A_649 : vector<16xf32>
      %add3A_652 = arith.addf %mul3A_650, %mul3A_651 : vector<16xf32>
      %reduce_sum3A_653 = arith.constant true
      %reduce_sum3A_654 = vector.broadcast %reduce_sum3A_653 : i1 to vector<16xi1>
      %reduce_sum3A_655 = tpu.scan <sum>, %add3A_652 masked %reduce_sum3A_654 : vector<16xf32>, vector<16xi1> -> vector<16xf32>
      %reduce_sum3A_656 = vector.extract %reduce_sum3A_655[15] : f32 from vector<16xf32>
      %eq3A_657 = arith.constant 13 : i32
      %eq3A_658 = vector.broadcast %eq3A_657 : i32 to vector<16xi32>
      %eq3A_659 = arith.cmpi eq, %iota3A, %eq3A_658 : vector<16xi32>
      %broadcast_in_dim3A_660 = vector.broadcast %reduce_sum3A_656 : f32 to vector<16xf32>
      %select_n3A_661 = arith.select %eq3A_659, %broadcast_in_dim3A_660, %select_n3A_635 : vector<16xi1>, vector<16xf32>
      %add3A_662 = arith.constant 14 : i32
      %add3A_663 = arith.addi %mul3A_299, %add3A_662 : i32
      %get3A_664 = arith.index_cast %add3A_663 : i32 to index
      %get3A_665 = arith.constant 0 : index
      %get3A_666 = tpu.vector_load %arg12[%get3A_664, %get3A_665] {strides = array<i32>} : memref<512x32xf32, #tpu.memory_space<vmem>>, vector<16xf32>,
      %get3A_667 = arith.index_cast %add3A_663 : i32 to index
      %get3A_668 = arith.constant 16 : index
      %get3A_669 = tpu.vector_load %arg12[%get3A_667, %get3A_668] {strides = array<i32>} : memref<512x32xf32, #tpu.memory_space<vmem>>, vector<16xf32>,
      %get3A_670 = arith.index_cast %add3A_663 : i32 to index
      %get3A_671 = arith.constant 0 : index
      %get3A_672 = tpu.vector_load %arg13[%get3A_670, %get3A_671] {strides = array<i32>} : memref<512x32xf32, #tpu.memory_space<vmem>>, vector<16xf32>,
      %get3A_673 = arith.index_cast %add3A_663 : i32 to index
      %get3A_674 = arith.constant 16 : index
      %get3A_675 = tpu.vector_load %arg13[%get3A_673, %get3A_674] {strides = array<i32>} : memref<512x32xf32, #tpu.memory_space<vmem>>, vector<16xf32>,
      %mul3A_676 = arith.mulf %get3A_666, %get3A_672 : vector<16xf32>
      %mul3A_677 = arith.mulf %get3A_669, %get3A_675 : vector<16xf32>
      %add3A_678 = arith.addf %mul3A_676, %mul3A_677 : vector<16xf32>
      %reduce_sum3A_679 = arith.constant true
      %reduce_sum3A_680 = vector.broadcast %reduce_sum3A_679 : i1 to vector<16xi1>
      %reduce_sum3A_681 = tpu.scan <sum>, %add3A_678 masked %reduce_sum3A_680 : vector<16xf32>, vector<16xi1> -> vector<16xf32>
      %reduce_sum3A_682 = vector.extract %reduce_sum3A_681[15] : f32 from vector<16xf32>
      %eq3A_683 = arith.constant 14 : i32
      %eq3A_684 = vector.broadcast %eq3A_683 : i32 to vector<16xi32>
      %eq3A_685 = arith.cmpi eq, %iota3A, %eq3A_684 : vector<16xi32>
      %broadcast_in_dim3A_686 = vector.broadcast %reduce_sum3A_682 : f32 to vector<16xf32>
      %select_n3A_687 = arith.select %eq3A_685, %broadcast_in_dim3A_686, %select_n3A_661 : vector<16xi1>, vector<16xf32>
      %add3A_688 = arith.constant 15 : i32
      %add3A_689 = arith.addi %mul3A_299, %add3A_688 : i32
      %get3A_690 = arith.index_cast %add3A_689 : i32 to index
      %get3A_691 = arith.constant 0 : index
      %get3A_692 = tpu.vector_load %arg12[%get3A_690, %get3A_691] {strides = array<i32>} : memref<512x32xf32, #tpu.memory_space<vmem>>, vector<16xf32>,
      %get3A_693 = arith.index_cast %add3A_689 : i32 to index
      %get3A_694 = arith.constant 16 : index
      %get3A_695 = tpu.vector_load %arg12[%get3A_693, %get3A_694] {strides = array<i32>} : memref<512x32xf32, #tpu.memory_space<vmem>>, vector<16xf32>,
      %get3A_696 = arith.index_cast %add3A_689 : i32 to index
      %get3A_697 = arith.constant 0 : index
      %get3A_698 = tpu.vector_load %arg13[%get3A_696, %get3A_697] {strides = array<i32>} : memref<512x32xf32, #tpu.memory_space<vmem>>, vector<16xf32>,
      %get3A_699 = arith.index_cast %add3A_689 : i32 to index
      %get3A_700 = arith.constant 16 : index
      %get3A_701 = tpu.vector_load %arg13[%get3A_699, %get3A_700] {strides = array<i32>} : memref<512x32xf32, #tpu.memory_space<vmem>>, vector<16xf32>,
      %mul3A_702 = arith.mulf %get3A_692, %get3A_698 : vector<16xf32>
      %mul3A_703 = arith.mulf %get3A_695, %get3A_701 : vector<16xf32>
      %add3A_704 = arith.addf %mul3A_702, %mul3A_703 : vector<16xf32>
      %reduce_sum3A_705 = arith.constant true
      %reduce_sum3A_706 = vector.broadcast %reduce_sum3A_705 : i1 to vector<16xi1>
      %reduce_sum3A_707 = tpu.scan <sum>, %add3A_704 masked %reduce_sum3A_706 : vector<16xf32>, vector<16xi1> -> vector<16xf32>
      %reduce_sum3A_708 = vector.extract %reduce_sum3A_707[15] : f32 from vector<16xf32>
      %eq3A_709 = arith.constant 15 : i32
      %eq3A_710 = vector.broadcast %eq3A_709 : i32 to vector<16xi32>
      %eq3A_711 = arith.cmpi eq, %iota3A, %eq3A_710 : vector<16xi32>
      %broadcast_in_dim3A_712 = vector.broadcast %reduce_sum3A_708 : f32 to vector<16xf32>
      %select_n3A_713 = arith.select %eq3A_711, %broadcast_in_dim3A_712, %select_n3A_687 : vector<16xi1>, vector<16xf32>
      %get3A_714 = arith.index_cast %mul3A_299 : i32 to index
      %get3A_715 = tpu.vector_load %arg14[%get3A_714] {strides = array<i32>} : memref<512xf32, #tpu.memory_space<vmem>>, vector<16xf32>,
      %add3A_716 = arith.addf %select_n3A_713, %get3A_715 : vector<16xf32>
      %get3A_717 = arith.index_cast %mul3A_299 : i32 to index
      %get3A_718 = tpu.vector_load %arg15[%get3A_717] {strides = array<i32>} : memref<512xf32, #tpu.memory_space<vmem>>, vector<16xf32>,
      %add3A_719 = arith.addf %add3A_716, %get3A_718 : vector<16xf32>
      %add3A_720 = arith.addf %add3A_719, %get3A_291 : vector<16xf32>
      %swap3A = arith.index_cast %mul3A_299 : i32 to index
      %swap3A_721 = tpu.vector_load %arg17[%swap3A] {strides = array<i32>} : memref<512xf32, #tpu.memory_space<vmem>>, vector<16xf32>,
      tpu.vector_store %arg17[%swap3A], %add3A_720 {strides = array<i32>} : memref<512xf32, #tpu.memory_space<vmem>>, vector<16xf32>,
    }
    %scan3A_296 = arith.constant 32 : i32
    "tpu.region"() ({
      %run_scoped3A = tpu.sem_alloc : memref<!tpu.dma_semaphore, #tpu.memory_space<semaphore_mem>>
      %dma_start3A_297 = tpu.memref_slice %arg9[%mul3A_2] : memref<16384xf32, #tpu.memory_space<hbm>> -> memref<512xf32, #tpu.memory_space<hbm>>
      %dma_start3A_298 = tpu.memref_slice %arg9[%mul3A_2] : memref<16384xf32, #tpu.memory_space<hbm>> -> memref<512xf32, #tpu.memory_space<hbm>>
      tpu.enqueue_dma source(%arg17 : memref<512xf32, #tpu.memory_space<vmem>>) target(%dma_start3A_298 : memref<512xf32, #tpu.memory_space<hbm>>) target_semaphore(%run_scoped3A : memref<!tpu.dma_semaphore, #tpu.memory_space<semaphore_mem>>)
      %dma_wait3A_299 = tpu.memref_slice %arg9[%mul3A_2] : memref<16384xf32, #tpu.memory_space<hbm>> -> memref<512xf32, #tpu.memory_space<hbm>>
      %dma_wait3A_300 = tpu.memref_slice %arg9[%mul3A_2] : memref<16384xf32, #tpu.memory_space<hbm>> -> memref<512xf32, #tpu.memory_space<hbm>>
      tpu.wait_dma2 semaphore(%run_scoped3A : memref<!tpu.dma_semaphore, #tpu.memory_space<semaphore_mem>>) src(%arg17 : memref<512xf32, #tpu.memory_space<vmem>>) dst(%dma_wait3A_300 : memref<512xf32, #tpu.memory_space<hbm>>)
      tpu.yield
    }) : () -> ()
    return
  }
}

</mosaic_0001>

<sc_bundles>
// kernel: kernel.3.cloned.1.call-start
scs
__scs_entry_jumppad:
0x0: {  	(pc) =	sbr.rel $0x88, $3  }
0x1: {  	(tag) =	ssettag $0x0;
	lr =	simm.s32 $0x1  }
0x2: {  	[smem:$0x3F9A] =	sst lr;
	_ =	strace $0xD0000000  }
0x3: {  	_ = 	snop  }
0x4: {  	_ = 	snop  }
0x5: {  	_ = 	snop  }
0x6: {  	_ = 	snop  }
0x7: {  	_ = 	snop  }
__scs_overlays_trampoline_lowered:
0x8: {  	[smem:$0x3FA9] =	sst s0  }
0x9: {  	[smem:$0x3FAA] =	sst s1  }
0xa: {  	[smem:$0x3FAB] =	sst s2  }
0xb: {  	[smem:$0x3FAC] =	sst s3  }
0xc: {  	[smem:$0x3FAD] =	sst s4  }
0xd: {  	[smem:$0x3FAE] =	sst s5  }
0xe: {  	[smem:$0x3FAF] =	sst s6  }
0xf: {  	[smem:$0x3FB0] =	sst s7  }
0x10: {  	[smem:$0x3FB1] =	sst s8  }
0x11: {  	[smem:$0x3FB2] =	sst s9;
	s0 =	simm.s32 @!p0 $0x0  }
0x12: {  	s1 =	sld [smem:$0x3F98];
	s0 =	simm.s32 @p0 $0x1  }
0x13: {  	[smem:$0x3FB3] =	sst s0;
	s0 =	simm.s32 @!p1 $0x0  }
0x14: {  	s2 =	sld [smem:$0x3F97];
	s0 =	simm.s32 @p1 $0x1  }
0x15: {  	[smem:$0x3FB4] =	sst s0;
	s0 =	simm.s32 @!p2 $0x0  }
0x16: {  	s3 =	sld [smem:$0x3FDB];
	s0 =	simm.s32 @p2 $0x1  }
0x17: {  	s4 =	simm.s32 $0x1BF5;
	[smem:$0x3FB6] =	sst s0  }
0x18: {  	s0 =	sld [smem:$0x3F99];
	_ =	swait.ge [sflag:s4], $0x0  }
0x19: {  	s7 =	sld [smem:$0x3F9A]  }
0x1a: {  	s8 =	sadd.s32 $0xFFFFE003, lr  }
0x1b: {  	s9 =	sadd.s32 $0xFFFFFEF7, lr;
	s5 =	simm.s32 $0xFFFFFFFF;
	p2 =	slt.u32 s8, $0xFFFFF086  }
0x1c: {  	p1 =	slt.u32 s9, $0xF7A;
	s5 =	simm.s32 @!p2 $0x0  }
0x1d: {  	s5 =	simm.s32 @p1 $0x1;
	p0 =	seq.s32 s7, s2  }
0x1e: {  	s7 =	smul.u32 @!p0 $0xF7A, s2;
	p2 =	seq.s32 @!p0 s5, $0x0  }
0x1f: {  	s9 =	smul.u32 $0xF7A, s1;
	s8 =	simm.s32 @!p0 $0x1BF5;
	p2 =	por !p2, p0  }
0x20: {  	[sflag:s8] =	ssyncset.s32 @!p0 $0xFFFFF086;
	s6 =	sadd.s32 @!p0 s3, s7;
	s7 =	simm.s32 @!p0 $0x108  }
0x21: {  	s3 =	sadd.s32 s3, s9;
	s6 =	sadd.s32 @!p0 $0x88, s6;
	s7 =	simm.s32 @p2 $0x1082  }
0x22: {  	[simem:s7], [sflag:s8] =	dma.local @!p0 [hbm:s6], $0xF7A  }
0x23: {  	s9 =	sor.u32 $0xD0000000, s2;
	s6 =	simm.s32 $0x108;
	_ =	swait.ge @!p0 [sflag:s8], $0x0  }
0x24: {  	s3 =	sadd.s32 $0x88, s3;
	s6 =	simm.s32 @!p1 $0x1082;
	[sflag:s4] =	ssyncset.s32 $0xFFFFF086  }
0x25: {  	[simem:s6], [sflag:s4] =	dma.local [hbm:s3], $0xF7A  }
0x26: {  	[smem:$0x3F9A] =	sst s1;
	(tag) =	ssettag s2;
	_ =	strace s9  }
0x27: {  	s1 =	sld [smem:$0x3FAA]  }
0x28: {  	s2 =	sld [smem:$0x3FAB]  }
0x29: {  	s4 =	sld [smem:$0x3FAD]  }
0x2a: {  	p0 =	seq.s32 s5, $0x0;
	s5 =	sld [smem:$0x3FAE]  }
0x2b: {  	s6 =	sld [smem:$0x3FAF]  }
0x2c: {  	s7 =	sld [smem:$0x3FB0]  }
0x2d: {  	s3 =	simm.s32 $0x108;
	s8 =	sld [smem:$0x3FB1]  }
0x2e: {  	s3 =	simm.s32 @!p0 $0x1082;
	s9 =	sld [smem:$0x3FB2]  }
0x2f: {  	lr =	sadd.s32 s0, s3;
	s0 =	sld [smem:$0x3FA9]  }
0x30: {  	s3 =	sld [smem:$0x3FAC]  }
0x31: {  	[smem:$0x3FB5] =	sst s10  }
0x32: {  	s10 =	sld [smem:$0x3FB3];
	_ =	sdelay $0x3  }
0x33: {  	p0 =	seq.s32 s10, $0x1;
	s10 =	sld [smem:$0x3FB5];
	_ =	sdelay $0x3  }
0x34: {  	[smem:$0x3FB5] =	sst s10  }
0x35: {  	s10 =	sld [smem:$0x3FB4];
	_ =	sdelay $0x3  }
0x36: {  	p1 =	seq.s32 s10, $0x1;
	s10 =	sld [smem:$0x3FB5];
	_ =	sdelay $0x3  }
0x37: {  	[smem:$0x3FB5] =	sst s10  }
0x38: {  	s10 =	sld [smem:$0x3FB6]  }
0x39: {  	_ = 	snop;
	(pc) =	sbr.ind lr, $3  }
0x3a: {  	_ = 	snop  }
0x3b: {  	_ = 	snop  }
0x3c: {  	p2 =	seq.s32 s10, $0x1;
	s10 =	sld [smem:$0x3FB5]  }
0x3d: {  	_ =	shalt  }
0x3e: {  	_ =	shalt  }
0x3f: {  	_ =	shalt  }
0x40: {  	_ =	shalt  }
0x41: {  	_ =	shalt  }
0x42: {  	_ =	shalt  }
0x43: {  	_ =	shalt  }
0x44: {  	_ =	shalt  }
0x45: {  	_ =	shalt  }
0x46: {  	_ =	shalt  }
0x47: {  	_ =	shalt  }
0x48: {  	_ =	shalt  }
0x49: {  	_ =	shalt  }
0x4a: {  	_ =	shalt  }
0x4b: {  	_ =	shalt  }
0x4c: {  	_ =	shalt  }
0x4d: {  	_ =	shalt  }
0x4e: {  	_ =	shalt  }
0x4f: {  	_ =	shalt  }
0x50: {  	_ =	shalt  }
0x51: {  	_ =	shalt  }
0x52: {  	_ =	shalt  }
0x53: {  	_ =	shalt  }
0x54: {  	_ =	shalt  }
0x55: {  	_ =	shalt  }
0x56: {  	_ =	shalt  }
0x57: {  	_ =	shalt  }
0x58: {  	_ =	shalt  }
0x59: {  	_ =	shalt  }
0x5a: {  	_ =	shalt  }
0x5b: {  	_ =	shalt  }
0x5c: {  	_ =	shalt  }
0x5d: {  	_ =	shalt  }
0x5e: {  	_ =	shalt  }
0x5f: {  	_ =	shalt  }
0x60: {  	_ =	shalt  }
0x61: {  	_ =	shalt  }
0x62: {  	_ =	shalt  }
0x63: {  	_ =	shalt  }
0x64: {  	_ =	shalt  }
0x65: {  	_ =	shalt  }
0x66: {  	_ =	shalt  }
0x67: {  	_ =	shalt  }
0x68: {  	_ =	shalt  }
0x69: {  	_ =	shalt  }
0x6a: {  	_ =	shalt  }
0x6b: {  	_ =	shalt  }
0x6c: {  	_ =	shalt  }
0x6d: {  	_ =	shalt  }
0x6e: {  	_ =	shalt  }
0x6f: {  	_ =	shalt  }
0x70: {  	_ =	shalt  }
0x71: {  	_ =	shalt  }
0x72: {  	_ =	shalt  }
0x73: {  	_ =	shalt  }
0x74: {  	_ =	shalt  }
0x75: {  	_ =	shalt  }
0x76: {  	_ =	shalt  }
0x77: {  	_ =	shalt  }
0x78: {  	_ =	shalt  }
0x79: {  	_ =	shalt  }
0x7a: {  	_ =	shalt  }
0x7b: {  	_ =	shalt  }
0x7c: {  	_ =	shalt  }
0x7d: {  	_ =	shalt  }
0x7e: {  	_ =	shalt  }
0x7f: {  	_ =	shalt  }
0x80: {  	_ =	shalt  }
0x81: {  	_ =	shalt  }
0x82: {  	_ =	shalt  }
0x83: {  	_ =	shalt  }
0x84: {  	_ =	shalt  }
0x85: {  	_ =	shalt  }
0x86: {  	_ =	shalt  }
0x87: {  	_ =	shalt  }
.Lfunc_end0:
.L_simem_size_0:
called_computation_lowered:
.L_overlay_start_0:
0x88: {  	s2 =	sld [smem:$0x3FD9]  }
0x89: {  	s3 =	sld [smem:$0x3FFE];
	_ =	sdelay $0x1  }
0x8a: {  	s1 =	srdreg.scid  }
0x8b: {  	s0 =	sand.u32 $0x1, s1  }
0x8c: {  	s17 =	sshll.u32 s0, $0xA;
	s2 =	sadd.s32 s3, s2  }
0x8d: {  	s2 =	sadd.s32 s2, s17  }
0x8e: {  	[smem:$0x3FC1] =	sst s2  }
0x8f: {  	_ = 	snop  }
0x90: {  	s2 =	sld [smem:$0x3FC9]  }
0x91: {  	s18 =	sld [smem:$0x3FC8]  }
0x92: {  	s4 =	sld [smem:$0x3FD0];
	(tm) =	ssettm $0x1  }
0x93: {  	s5 =	sld [smem:$0x3FFB];
	_ =	sdelay $0x3  }
0x94: {  	_ =	strace s5  }
0x95: {  	s5 =	sld [smem:$0x3FFC];
	_ =	sdelay $0x3  }
0x96: {  	_ =	strace s5  }
0x97: {  	s5 =	sld [smem:$0x3FFD];
	_ =	sdelay $0x3  }
0x98: {  	_ =	strace s5  }
0x99: {  	_ =	strace $0x8FFFFFFF  }
0x9a: {  	s19 =	sld [smem:$0x3FDB];
	_ =	sdelay $0x1  }
0x9b: {  	s6 =	simm.s32 $_scs_section_size  }
0x9c: {  	s7 =	simm.s32 $_size__tile_overlayer_lowered;
	s8 =	simm.s32 $_tile_overlayer_lowered  }
0x9d: {  	s22 =	simm.s32 $0x1BFF;
	s21 =	sshll.u32 s8, $0x1;
	s5 =	sadd.s32 s6, s19  }
0x9e: {  	s9 =	simm.s32 $0x0;
	s20 =	sshll.u32 s7, $0x1;
	s7 =	sadd.s32 s21, s5  }
0x9f: {  	[timem:s9], [sflag:s22] =	dma.local [hbm:s7], s20  }
0xa0: {  	_ =	swait.ge [sflag:s22], s20  }
0xa1: {  	s6 =	ssub.s32 $0x0, s20;
	[sflag:s22] =	ssyncset.done $0x0  }
0xa2: {  	[sflag:s22] =	ssyncadd.s32 s6;
	_ =	sdelay $0x1  }
0xa3: {  	s23 =	simm.s32 $0x1B8B  }
0xa4: {  	_ =	swait.ge [sflag:s23], $0x1  }
0xa5: {  	[sflag:s23] =	ssyncset.done $0x0  }
0xa6: {  	s25 =	simm.s32 $0x1B8E;
	s24 =	sld [smem:$0x3FFE];
	[sflag:s23] =	ssyncadd.s32 $0xFFFFFFFF  }
0xa7: {  	s26 =	simm.s32 $execute0_lowered;
	[smem:$0x3FD2] =	sst s25  }
0xa8: {  	s7 =	sshll.u32 s26, $0x1;
	_ =	strace $0x80000046;
	[dreg:$0x1] =	wrdreg $0xFFFFFFFF  }
0xa9: {  	s28 =	simm.s32 $_size_execute0_lowered;
	s5 =	sadd.s32 s5, s7;
	[dreg:$0x0] =	wrdreg $0x0  }
0xaa: {  	s7 =	sshll.u32 s28, $0x1;
	[dreg:$0x2] =	wrdreg s5  }
0xab: {  	[dreg:$0x3] =	wrdreg s7  }
0xac: {  	[dreg:$0x4] =	wrdreg $0xC0  }
0xad: {  	_ =	task [dreg:s9], $0x5FFFF  }
0xae: {  	[dreg:$0x1] =	wrdreg $0xFFFFFFFF  }
0xaf: {  	[dreg:$0x0] =	wrdreg $0x60  }
0xb0: {  	[dreg:$0x2] =	wrdreg s2  }
0xb1: {  	[dreg:$0x3] =	wrdreg s18  }
0xb2: {  	[dreg:$0x4] =	wrdreg s24  }
0xb3: {  	[dreg:$0x5] =	wrdreg s4  }
0xb4: {  	[dreg:$0x6] =	wrdreg $0x9  }
0xb5: {  	_ =	task.clear_ibuf [dreg:s9], $0x7FFFF;
	_ =	strace $0x90000046  }
0xb6: {  	s29 =	simm.s32 $0x9;
	_ =	strace $0x80000048  }
0xb7: {  	_ =	swait.ge [sflag:s29], $0x1  }
0xb8: {  	[sflag:s29] =	ssyncadd.s32 $0xFFFFFFFF  }
0xb9: {  	_ =	strace $0x90000048  }
0xba: {  	_ =	sfence  }
0xbb: {  	s30 =	sld [smem:$0x0];
	_ =	sdelay $0x2  }
0xbc: {  	s31 =	sshll.u32 s1, $0xD;
	s1 =	sshrl.u32 s1, $0x2  }
0xbd: {  	s3 =	sand.u32 $0x4000, s31;
	s1 =	sadd.s32 s1, s30  }
0xbe: {  	s0 =	sor.u32 s3, s0;
	s1 =	sshll.u32 s1, $0x11  }
0xbf: {  	s0 =	sor.u32 s1, s0  }
0xc0: {  	s0 =	sadd.s32 $0x8F2B, s0  }
0xc1: {  	[sflag:s0] =	ssyncadd.remote.s32 $0x1  }
0xc2: {  	_ =	sfence.sel $0xFFFF  }
0xc3: {  	[dreg:$0x0] =	wrdreg $0xFFFFFFFF;
	(pc) =	sbr.abs _section_cstart, $3  }
0xc4: {  	[dreg:$0x1] =	wrdreg $0xFFFFFFFF  }
0xc5: {  	_ =	task.clear_ibuf [dreg:s9], $0x2FFFF;
	_ =	strace $0x9FFFFFFF  }
0xc6: {  	(tm) =	ssettm $0x7FFFFFFF  }
0xc7: {  	_ =	shalt  }
tec
execute0_lowered:
.L_overlay_start_1:
0x0: {  	(tag) =	ssettag $0x1  }
0x1: {  	s0 =	rddreg [dreg:$0x0]  }
0x2: {  	s3 =	rddreg [dreg:$0x1]  }
0x3: {  	s1 =	rddreg [dreg:$0x2]  }
0x4: {  	s10 =	rddreg [dreg:$0x3]  }
0x5: {  	s2 =	simm.s32 $0x0;
	s7 =	srdreg.scid;
	s9 =	stileid.u32  }
0x6: {  	s13 =	simm.s32 $0x200;
	s15 =	simm.s32 $0x80;
	s21 =	simm.s32 $0x280  }
0x7: {  	s25 =	simm.s32 $0x100;
	s28 =	simm.s32 $0x300;
	s31 =	simm.s32 $0x8700  }
0x8: {  	s14 =	simm.s32 $0x380;
	s16 =	simm.s32 $0x7400;
	s17 =	simm.s32 $0x8580  }
0x9: {  	s18 =	simm.s32 $0x8780;
	s19 =	simm.s32 $0x1;
	s20 =	simm.s32 $0x8810  }
0xa: {  	s22 =	simm.s32 $0x0;
	[smem:$0x7FF] =	sst s2;
	s4 =	sadd.s32 $0x1312E00, s1  }
0xb: {  	s5 =	sadd.s32 $0xF42400, s1;
	s6 =	sadd.s32 $0x1EA00, s1;
	s7 =	sand.u32 $0x1, s7  }
0xc: {  	vm0 =	vmmov $0x1;
	vm1 =	vmmov $0x3;
	vm2 =	vmmov $0x7;
	s9 =	sshll.u32 s9, $0x7;
	s8 =	ssub.s32 $0x2, s7;
	s11 =	sshll.u32 s7, $0x6  }
0xd: {  	vm3 =	vmmov $0xf;
	vm4 =	vmmov $0x1f;
	vm5 =	vmmov $0x3f;
	_ =	strace $0x80000047;
	s12 =	sshrl.u32 s8, $0x1;
	s11 =	sor.u32 s11, s9  }
0xe: {  	vm6 =	vmmov $0x7f;
	vm7 =	vmmov $0xff;
	vm8 =	vmmov $0x1ff;
	s7 =	sadd.s32 $0x3D400, s1;
	s12 =	ssub.s32 s8, s12;
	s8 =	sadd.s32 s0, s11  }
0xf: {  	vm9 =	vmmov $0x3ff;
	vm10 =	vmmov $0x7ff;
	vm11 =	vmmov $0xfff;
	s9 =	sadd.s32 s3, s11;
	s10 =	sadd.s32 s10, s11;
	s0 =	simm.s32 $0x180  }
0x10: {  	vm12 =	vmmov $0x1fff;
	vm13 =	vmmov $0x3fff;
	vm14 =	vmmov $0x7fff;
	s3 =	simm.s32 $0x3400;
	s11 =	smax.u32 s12, $0x1;
	s12 =	simm.s32 $0x2  }
.LBB2_1:
0x11: {  	[tilespmem:s2], [sflag:$0x2] =	stream.linear.gather [hbm4b:s8+s2], $0x200, $0x38;
	[tilespmem:$0x8A10] =	vst v63  }
0x12: {  	_ =	swait.ge [sflag:s12], $0x200  }
0x13: {  	[sflag:s12] =	ssyncset.done $0x0  }
0x14: {  	[sflag:s12] =	ssyncadd.s32 $0xFFFFFE00  }
0x15: {  	[tilespmem:s13], [sflag:$0x2] =	stream.linear.gather [hbm4b:s9+s2], $0x200, $0x38;
	[tilespmem:$0x8A10] =	vst v63  }
0x16: {  	_ =	swait.ge [sflag:s12], $0x200  }
0x17: {  	[sflag:s12] =	ssyncset.done $0x0  }
0x18: {  	s23 =	simm.s32 $0x8800;
	[sflag:s12] =	ssyncadd.s32 $0xFFFFFE00  }
0x19: {  	[tilespmem:s23], [sflag:$0x2] =	stream.linear.gather [hbm4b:s7+s2], $0x10, $0x38;
	[tilespmem:$0x8A10] =	vst v63  }
0x1a: {  	_ =	swait.ge [sflag:s12], $0x10  }
0x1b: {  	[sflag:s12] =	ssyncset.done $0x0  }
0x1c: {  	s26 =	simm.s32 $0x400;
	[sflag:s12] =	ssyncadd.s32 $0xFFFFFFF0  }
0x1d: {  	[tilespmem:s26], [sflag:$0x1] =	stream.indirect.gather [hbm4b:s4+s15], $0x20, s2, s15, $0xb8;
	[tilespmem:$0x8A10] =	vst v63  }
0x1e: {  	s30 =	simm.s32 $0x4400  }
0x1f: {  	[tilespmem:s30], [sflag:$0x1] =	stream.indirect.gather [hbm4b:s5+s15], $0x20, s13, s15, $0xb8;
	[tilespmem:$0x8A10] =	vst v63  }
0x20: {  	s24 =	simm.s32 $0x8400  }
0x21: {  	[tilespmem:s24], [sflag:$0x1] =	stream.indirect.gather [hbm4b:s6+s15], $0x1, s2, s15, $0xb8;
	[tilespmem:$0x8A10] =	vst v63  }
0x22: {  	s26 =	simm.s32 $0x8600  }
0x23: {  	[tilespmem:s26], [sflag:$0x1] =	stream.indirect.gather [hbm4b:s1+s15], $0x1, s13, s15, $0xb8;
	[tilespmem:$0x8A10] =	vst v63  }
0x24: {  	s30 =	simm.s32 $0x1400  }
0x25: {  	[tilespmem:s30], [sflag:$0x1] =	stream.indirect.gather [hbm4b:s4+s15], $0x20, s15, s15, $0xb8;
	[tilespmem:$0x8A10] =	vst v63  }
0x26: {  	s24 =	simm.s32 $0x5400  }
0x27: {  	[tilespmem:s24], [sflag:$0x1] =	stream.indirect.gather [hbm4b:s5+s15], $0x20, s21, s15, $0xb8;
	[tilespmem:$0x8A10] =	vst v63  }
0x28: {  	s26 =	simm.s32 $0x8480  }
0x29: {  	[tilespmem:s26], [sflag:$0x1] =	stream.indirect.gather [hbm4b:s6+s15], $0x1, s15, s15, $0xb8;
	[tilespmem:$0x8A10] =	vst v63  }
0x2a: {  	s30 =	simm.s32 $0x8680  }
0x2b: {  	[tilespmem:s30], [sflag:$0x1] =	stream.indirect.gather [hbm4b:s1+s15], $0x1, s21, s15, $0xb8;
	[tilespmem:$0x8A10] =	vst v63  }
0x2c: {  	s24 =	simm.s32 $0x2400  }
0x2d: {  	[tilespmem:s24], [sflag:$0x1] =	stream.indirect.gather [hbm4b:s4+s15], $0x20, s25, s15, $0xb8;
	[tilespmem:$0x8A10] =	vst v63  }
0x2e: {  	s26 =	simm.s32 $0x6400  }
0x2f: {  	[tilespmem:s26], [sflag:$0x1] =	stream.indirect.gather [hbm4b:s5+s15], $0x20, s28, s15, $0xb8;
	[tilespmem:$0x8A10] =	vst v63  }
0x30: {  	s30 =	simm.s32 $0x8500  }
0x31: {  	[tilespmem:s30], [sflag:$0x1] =	stream.indirect.gather [hbm4b:s6+s15], $0x1, s25, s15, $0xb8;
	[tilespmem:$0x8A10] =	vst v63  }
0x32: {  	_ = 	snop  }
0x33: {  	[tilespmem:s31], [sflag:$0x1] =	stream.indirect.gather [hbm4b:s1+s15], $0x1, s28, s15, $0xb8;
	[tilespmem:$0x8A10] =	vst v63  }
0x34: {  	_ = 	snop  }
0x35: {  	[tilespmem:s3], [sflag:$0x1] =	stream.indirect.gather [hbm4b:s4+s15], $0x20, s0, s15, $0xb8;
	[tilespmem:$0x8A10] =	vst v63  }
0x36: {  	_ = 	snop  }
0x37: {  	[tilespmem:s16], [sflag:$0x1] =	stream.indirect.gather [hbm4b:s5+s15], $0x20, s14, s15, $0xb8;
	[tilespmem:$0x8A10] =	vst v63  }
0x38: {  	_ = 	snop  }
0x39: {  	[tilespmem:s17], [sflag:$0x1] =	stream.indirect.gather [hbm4b:s6+s15], $0x1, s0, s15, $0xb8;
	[tilespmem:$0x8A10] =	vst v63  }
0x3a: {  	_ = 	snop  }
0x3b: {  	[tilespmem:s18], [sflag:$0x1] =	stream.indirect.gather [hbm4b:s1+s15], $0x1, s14, s15, $0xb8;
	[tilespmem:$0x8A10] =	vst v63  }
0x3c: {  	_ =	swait.ge [sflag:s19], $0x1000  }
0x3d: {  	[sflag:s19] =	ssyncset.done $0x0  }
0x3e: {  	[sflag:s19] =	ssyncadd.s32 $0xFFFFF000  }
0x3f: {  	_ =	swait.ge [sflag:s19], $0x1000  }
0x40: {  	[sflag:s19] =	ssyncset.done $0x0  }
0x41: {  	[sflag:s19] =	ssyncadd.s32 $0xFFFFF000  }
0x42: {  	_ =	swait.ge [sflag:s19], $0x80  }
0x43: {  	[sflag:s19] =	ssyncset.done $0x0  }
0x44: {  	[sflag:s19] =	ssyncadd.s32 $0xFFFFFF80  }
0x45: {  	_ =	swait.ge [sflag:s19], $0x80  }
0x46: {  	[sflag:s19] =	ssyncset.done $0x0  }
0x47: {  	[sflag:s19] =	ssyncadd.s32 $0xFFFFFF80  }
0x48: {  	_ =	swait.ge [sflag:s19], $0x1000  }
0x49: {  	[sflag:s19] =	ssyncset.done $0x0  }
0x4a: {  	[sflag:s19] =	ssyncadd.s32 $0xFFFFF000  }
0x4b: {  	_ =	swait.ge [sflag:s19], $0x1000  }
0x4c: {  	[sflag:s19] =	ssyncset.done $0x0  }
0x4d: {  	[sflag:s19] =	ssyncadd.s32 $0xFFFFF000  }
0x4e: {  	_ =	swait.ge [sflag:s19], $0x80  }
0x4f: {  	[sflag:s19] =	ssyncset.done $0x0  }
0x50: {  	[sflag:s19] =	ssyncadd.s32 $0xFFFFFF80  }
0x51: {  	_ =	swait.ge [sflag:s19], $0x80  }
0x52: {  	[sflag:s19] =	ssyncset.done $0x0  }
0x53: {  	[sflag:s19] =	ssyncadd.s32 $0xFFFFFF80  }
0x54: {  	_ =	swait.ge [sflag:s19], $0x1000  }
0x55: {  	[sflag:s19] =	ssyncset.done $0x0  }
0x56: {  	[sflag:s19] =	ssyncadd.s32 $0xFFFFF000  }
0x57: {  	_ =	swait.ge [sflag:s19], $0x1000  }
0x58: {  	[sflag:s19] =	ssyncset.done $0x0  }
0x59: {  	[sflag:s19] =	ssyncadd.s32 $0xFFFFF000  }
0x5a: {  	_ =	swait.ge [sflag:s19], $0x80  }
0x5b: {  	[sflag:s19] =	ssyncset.done $0x0  }
0x5c: {  	[sflag:s19] =	ssyncadd.s32 $0xFFFFFF80  }
0x5d: {  	_ =	swait.ge [sflag:s19], $0x80  }
0x5e: {  	[sflag:s19] =	ssyncset.done $0x0  }
0x5f: {  	[sflag:s19] =	ssyncadd.s32 $0xFFFFFF80  }
0x60: {  	_ =	swait.ge [sflag:s19], $0x1000  }
0x61: {  	[sflag:s19] =	ssyncset.done $0x0  }
0x62: {  	[sflag:s19] =	ssyncadd.s32 $0xFFFFF000  }
0x63: {  	_ =	swait.ge [sflag:s19], $0x1000  }
0x64: {  	[sflag:s19] =	ssyncset.done $0x0  }
0x65: {  	[sflag:s19] =	ssyncadd.s32 $0xFFFFF000  }
0x66: {  	_ =	swait.ge [sflag:s19], $0x80  }
0x67: {  	[sflag:s19] =	ssyncset.done $0x0  }
0x68: {  	[sflag:s19] =	ssyncadd.s32 $0xFFFFFF80  }
0x69: {  	_ =	swait.ge [sflag:s19], $0x80  }
0x6a: {  	[sflag:s19] =	ssyncset.done $0x0  }
0x6b: {  	[sflag:s19] =	ssyncadd.s32 $0xFFFFFF80  }
0x6c: {  	s24 =	simm.s32 $0x500;
	v0 =	vld [tilespmem:$0x8800]  }
0x6d: {  	s23 =	simm.s32 $0x4500;
	v3 =	vld [tilespmem:s24+$0xC0]  }
0x6e: {  	v4 =	vld [tilespmem:s23+$0xC0]  }
0x6f: {  	v6 =	vld [tilespmem:s24+$0xD0]  }
0x70: {  	v7 =	vld [tilespmem:s23+$0xD0]  }
0x71: {  	v1 =	vld [tilespmem:s24+$0xA0]  }
0x72: {  	v8 =	vld [tilespmem:s24+$0x80]  }
0x73: {  	v9 =	vld [tilespmem:s23+$0x80]  }
0x74: {  	v10 =	vld [tilespmem:s24+$0x90]  }
0x75: {  	v11 =	vld [tilespmem:s23+$0x90]  }
0x76: {  	v12 =	vld [tilespmem:s24+$0x60]  }
0x77: {  	v13 =	vld [tilespmem:s23+$0x60]  }
0x78: {  	v14 =	vld [tilespmem:s24+$0x70]  }
0x79: {  	v15 =	vld [tilespmem:s23+$0x70]  }
0x7a: {  	v2 =	vld [tilespmem:s24+$0x40]  }
0x7b: {  	v16 =	vld [tilespmem:s24+$0x20]  }
0x7c: {  	v17 =	vld [tilespmem:s23+$0x20]  }
0x7d: {  	v18 =	vld [tilespmem:s24+$0x30]  }
0x7e: {  	v19 =	vld [tilespmem:s23+$0x30]  }
0x7f: {  	v20 =	vld [tilespmem:s24+$0x0]  }
0x80: {  	v21 =	vld [tilespmem:s23+$0x0]  }
0x81: {  	v22 =	vld [tilespmem:s24+$0x10]  }
0x82: {  	v23 =	vld [tilespmem:s23+$0x10]  }
0x83: {  	v5 =	vld [tilespmem:s24+$0xFFFFFFE0]  }
0x84: {  	v24 =	vld [tilespmem:s24+$0xFFFFFFC0]  }
0x85: {  	v25 =	vld [tilespmem:s23+$0xFFFFFFC0];
	v3 =	vmul.f32 v4, v3;
	v4 =	vmul.f32 v7, v6  }
0x86: {  	v26 =	vld [tilespmem:s24+$0xFFFFFFD0]  }
0x87: {  	v27 =	vld [tilespmem:s23+$0xFFFFFFD0];
	v3 =	vadd.f32 v4, v3  }
0x88: {  	v28 =	vld [tilespmem:s24+$0xFFFFFFA0];
	v7 =	vmul.f32 v9, v8;
	v9 =	vmul.f32 v11, v10  }
0x89: {  	v29 =	vld [tilespmem:s23+$0xFFFFFFA0];
	(xrf2) =	vadd.scan.msk.f32 $0xffff, v3  }
0x8a: {  	v30 =	vld [tilespmem:s24+$0xFFFFFFB0];
	v10 =	vmul.f32 v15, v14;
	v4 =	vmul.f32 v13, v12;
	v7 =	vadd.f32 v9, v7  }
0x8b: {  	v6 =	vld [tilespmem:s23+$0xFFFFFFB0];
	v11 =	vmul.f32 v19, v18;
	v9 =	vmul.f32 v17, v16  }
0x8c: {  	v8 =	vld [tilespmem:s24+$0xFFFFFF80];
	v3 =	vadd.f32 v10, v4;
	(xrf2) =	vadd.scan.msk.f32 $0xffff, v7  }
0x8d: {  	v14 =	vld [tilespmem:s23+$0xFFFFFF60];
	v7 =	vadd.f32 v11, v9  }
0x8e: {  	v15 =	vld [tilespmem:s23+$0xFFFFFF70];
	(xrf2) =	vadd.scan.msk.f32 $0xffff, v3  }
0x8f: {  	v18 =	vld [tilespmem:s24+$0xFFFFFF50];
	v3 =	vmul.f32 v21, v20;
	(xrf2) =	vadd.scan.msk.f32 $0xffff, v7;
	v7 =	vmul.f32 v23, v22  }
0x90: {  	v19 =	vld [tilespmem:s23+$0xFFFFFF50]  }
0x91: {  	v4 =	vld [tilespmem:s24+$0xFFFFFF70];
	v7 =	vadd.f32 v7, v3  }
0x92: {  	v12 =	vld [tilespmem:s24+$0xFFFFFF60];
	v13 =	vmul.f32 v25, v24;
	v20 =	vmul.f32 v27, v26  }
0x93: {  	v16 =	vld [tilespmem:s24+$0xFFFFFF40];
	v3, _, _ =	vpop (xrf2);
	(xrf2) =	vadd.scan.msk.f32 $0xffff, v7  }
0x94: {  	v17 =	vld [tilespmem:s23+$0xFFFFFF40];
	v20 =	vadd.f32 v20, v13  }
0x95: {  	v62 =	vmul.f32 v29, v28;
	v10 =	vld [tilespmem:s24+$0xFFFFFF00];
	v6 =	vmul.f32 v6, v30  }
0x96: {  	v9 =	vld [tilespmem:s23+$0xFFFFFF00];
	v15 =	vmul.f32 v15, v4;
	v4, _, _ =	vpop (xrf2);
	(xrf2) =	vadd.scan.msk.f32 $0xffff, v20  }
0x97: {  	v11 =	vld [tilespmem:s24+$0xFFFFFF10];
	v7 =	vadd.f32 v6, v62  }
0x98: {  	v63 =	vmul.f32 v14, v12;
	v12 =	vld [tilespmem:s24+$0xFFFFFF20]  }
0x99: {  	v13 =	vld [tilespmem:s23+$0xFFFFFF10];
	v6, _, _ =	vpop (xrf2);
	(xrf2) =	vadd.scan.msk.f32 $0xffff, v7  }
0x9a: {  	v14 =	vld [tilespmem:s23+$0xFFFFFF20];
	v20 =	vadd.f32 v15, v63  }
0x9b: {  	v18 =	vmul.f32 v19, v18;
	v17 =	vmul.f32 v17, v16;
	v16 =	vld [tilespmem:s23+$0xFFFFFF30]  }
0x9c: {  	s29 =	simm.s32 $0x40;
	s26 =	simm.s32 $0x0;
	v15 =	vld [tilespmem:s24+$0xFFFFFF30];
	v7, _, _ =	vpop (xrf2);
	(xrf2) =	vadd.scan.msk.f32 $0xffff, v20  }
.LBB2_2:
0x9d: {  	p0 =	sne.s32 s29, $0x7C0;
	v20 =	vadd.f32 v18, v17;
	v18 =	vld [tilespmem:s23+$0xFFFFFF80];
	v19, _, _ =	vpop (xrf2)  }
0x9e: {  	v9 =	vmul.f32 v9, v10;
	v10 =	vmul.f32 v13, v11;
	v11 =	vld [tilespmem:s24+$0xFFFFFF90]  }
0x9f: {  	v13 =	vld [tilespmem:s23+$0xFFFFFF90];
	(xrf2) =	vadd.scan.msk.f32 $0xffff, v20  }
0xa0: {  	v9 =	vadd.f32 v10, v9;
	v10 =	vld [tilespmem:s23+$0xFFFFFFE0];
	v17, _, _ =	vpop (xrf2)  }
0xa1: {  	v12 =	vmul.f32 v14, v12;
	v20 =	vmul.f32 v16, v15;
	v15 =	vld [tilespmem:s24+$0xFFFFFFF0]  }
0xa2: {  	v16 =	vld [tilespmem:s23+$0xFFFFFFF0];
	(xrf2) =	vadd.scan.msk.f32 $0xffff, v9  }
0xa3: {  	v9 =	vadd.f32 v20, v12;
	v12 =	vld [tilespmem:s23+$0x40];
	v14, _, _ =	vpop (xrf2)  }
0xa4: {  	v8 =	vmul.f32 v18, v8;
	v20 =	vmul.f32 v13, v11;
	v13 =	vld [tilespmem:s24+$0x50]  }
0xa5: {  	v18 =	vld [tilespmem:s23+$0x50];
	(xrf2) =	vadd.scan.msk.f32 $0xffff, v9  }
0xa6: {  	v8 =	vadd.f32 v20, v8;
	v9 =	vld [tilespmem:s23+$0xA0];
	v11, _, _ =	vpop (xrf2)  }
0xa7: {  	v5 =	vmul.f32 v10, v5;
	v20 =	vmul.f32 v16, v15;
	v15 =	vld [tilespmem:s24+$0xB0]  }
0xa8: {  	v16 =	vld [tilespmem:s23+$0xB0];
	(xrf2) =	vadd.scan.msk.f32 $0xffff, v8  }
0xa9: {  	v5 =	vadd.f32 v20, v5;
	v8 =	vld [tilespmem:s24+$0xE0];
	v10, _, _ =	vpop (xrf2)  }
0xaa: {  	v2 =	vmul.f32 v12, v2;
	v20 =	vmul.f32 v18, v13;
	v13 =	vld [tilespmem:s23+$0xE0]  }
0xab: {  	v18 =	vld [tilespmem:s24+$0xF0];
	(xrf2) =	vadd.scan.msk.f32 $0xffff, v5  }
0xac: {  	v2 =	vadd.f32 v20, v2;
	v5 =	vld [tilespmem:s23+$0xF0];
	v12, _, _ =	vpop (xrf2)  }
0xad: {  	v1 =	vmul.f32 v9, v1;
	v9 =	vmul.f32 v16, v15  }
0xae: {  	(xrf2) =	vadd.scan.msk.f32 $0xffff, v2  }
0xaf: {  	v1 =	vadd.f32 v9, v1;
	v2 =	vmul.f32 v13, v8;
	v8, _, _ =	vpop (xrf2)  }
0xb0: {  	v12 =	vbroadcast v12, $0xF;
	v8 =	vbroadcast v8, $0xF  }
0xb1: {  	v10 =	vbroadcast v10, $0xF;
	v5 =	vmul.f32 v5, v18;
	(xrf2) =	vadd.scan.msk.f32 $0xffff, v1  }
0xb2: {  	v1 =	vsel vm0, v12, v8;
	v8 =	vbroadcast v11, $0xF;
	v9, _, _ =	vpop (xrf2)  }
0xb3: {  	v1 =	vsel vm1, v1, v10;
	v10 =	vbroadcast v9, $0xF;
	v2 =	vadd.f32 v5, v2  }
0xb4: {  	v5 =	vbroadcast v14, $0xF;
	v1 =	vsel vm2, v1, v8  }
0xb5: {  	v8 =	vbroadcast v17, $0xF;
	v1 =	vsel vm3, v1, v10;
	v9, _, _ =	vpop (xrf2);
	(xrf2) =	vadd.scan.msk.f32 $0xffff, v2  }
0xb6: {  	v1 =	vsel vm4, v1, v5;
	v2 =	vbroadcast v9, $0xF  }
0xb7: {  	v5 =	vbroadcast v19, $0xF;
	v1 =	vsel vm5, v1, v8  }
0xb8: {  	v1 =	vsel vm6, v1, v2;
	v2 =	vbroadcast v7, $0xF;
	v7, _, _ =	vpop (xrf2)  }
0xb9: {  	v1 =	vsel vm7, v1, v5;
	v7 =	vbroadcast v7, $0xF  }
0xba: {  	v1 =	vsel vm8, v1, v2;
	v2 =	vbroadcast v6, $0xF  }
0xbb: {  	v4 =	vbroadcast v4, $0xF;
	s30 =	sshra.s32 s26, $0x2;
	s26 =	smov.u32 s29;
	v1 =	vsel vm9, v1, v7;
	v5, _, _ =	vpop (xrf2)  }
0xbc: {  	v1 =	vsel vm10, v1, v2;
	v2 =	vbroadcast v5, $0xF;
	v5 =	vld [tilespmem:s30+$0x8400]  }
0xbd: {  	v1 =	vsel vm11, v1, v4;
	v4 =	vbroadcast v3, $0xF  }
0xbe: {  	v1 =	vsel vm12, v1, v2;
	v2 =	vld [tilespmem:s30+$0x8600]  }
0xbf: {  	v1 =	vsel vm13, v1, v4;
	v3, _, _ =	vpop (xrf2)  }
0xc0: {  	v1 =	vsel vm14, v1, v3  }
0xc1: {  	v1 =	vadd.f32 v1, v5;
	_ =	sdelay $0x1  }
0xc2: {  	v1 =	vadd.f32 v1, v2;
	_ =	sdelay $0x1  }
0xc3: {  	v1 =	vadd.f32 v1, v0;
	_ =	sdelay $0x1  }
0xc4: {  	s24 =	sadd.s32 $0x200, s24;
	[tilespmem:s30+$0x8810] =	vst v1  }
0xc5: {  	s23 =	sadd.s32 $0x200, s23;
	v3 =	vld [tilespmem:s24+$0xC0]  }
0xc6: {  	v4 =	vld [tilespmem:s23+$0xC0]  }
0xc7: {  	v6 =	vld [tilespmem:s24+$0xD0]  }
0xc8: {  	v7 =	vld [tilespmem:s23+$0xD0]  }
0xc9: {  	v1 =	vld [tilespmem:s24+$0xA0]  }
0xca: {  	v8 =	vld [tilespmem:s24+$0x80]  }
0xcb: {  	v9 =	vld [tilespmem:s23+$0x80]  }
0xcc: {  	v10 =	vld [tilespmem:s24+$0x90]  }
0xcd: {  	v11 =	vld [tilespmem:s23+$0x90]  }
0xce: {  	v12 =	vld [tilespmem:s24+$0x60]  }
0xcf: {  	v13 =	vld [tilespmem:s23+$0x60]  }
0xd0: {  	v14 =	vld [tilespmem:s24+$0x70]  }
0xd1: {  	v15 =	vld [tilespmem:s23+$0x70]  }
0xd2: {  	v2 =	vld [tilespmem:s24+$0x40]  }
0xd3: {  	v16 =	vld [tilespmem:s24+$0x20]  }
0xd4: {  	v17 =	vld [tilespmem:s23+$0x20]  }
0xd5: {  	v18 =	vld [tilespmem:s24+$0x30]  }
0xd6: {  	v19 =	vld [tilespmem:s23+$0x30]  }
0xd7: {  	v20 =	vld [tilespmem:s24+$0x0]  }
0xd8: {  	v21 =	vld [tilespmem:s23+$0x0]  }
0xd9: {  	v22 =	vld [tilespmem:s24+$0x10]  }
0xda: {  	v23 =	vld [tilespmem:s23+$0x10]  }
0xdb: {  	v3 =	vmul.f32 v4, v3;
	v4 =	vmul.f32 v7, v6;
	v5 =	vld [tilespmem:s24+$0xFFFFFFE0]  }
0xdc: {  	v6 =	vld [tilespmem:s24+$0xFFFFFFC0]  }
0xdd: {  	v3 =	vadd.f32 v4, v3;
	v7 =	vld [tilespmem:s23+$0xFFFFFFC0]  }
0xde: {  	v8 =	vmul.f32 v9, v8;
	v9 =	vmul.f32 v11, v10;
	v4 =	vld [tilespmem:s24+$0xFFFFFFD0]  }
0xdf: {  	v10 =	vld [tilespmem:s23+$0xFFFFFFD0];
	(xrf2) =	vadd.scan.msk.f32 $0xffff, v3  }
0xe0: {  	v3 =	vadd.f32 v9, v8;
	v11 =	vld [tilespmem:s24+$0xFFFFFFA0]  }
0xe1: {  	v8 =	vmul.f32 v13, v12;
	v9 =	vmul.f32 v15, v14;
	v24 =	vld [tilespmem:s23+$0xFFFFFFA0]  }
0xe2: {  	v12 =	vld [tilespmem:s24+$0xFFFFFFB0];
	(xrf2) =	vadd.scan.msk.f32 $0xffff, v3  }
0xe3: {  	v3 =	vadd.f32 v9, v8;
	v13 =	vld [tilespmem:s23+$0xFFFFFFB0]  }
0xe4: {  	v14 =	vmul.f32 v19, v18;
	v9 =	vmul.f32 v17, v16;
	v8 =	vld [tilespmem:s24+$0xFFFFFF80]  }
0xe5: {  	v15 =	vld [tilespmem:s24+$0xFFFFFF60];
	(xrf2) =	vadd.scan.msk.f32 $0xffff, v3  }
0xe6: {  	v25 =	vadd.f32 v14, v9;
	v16 =	vld [tilespmem:s23+$0xFFFFFF60]  }
0xe7: {  	v17 =	vmul.f32 v23, v22;
	v9 =	vmul.f32 v21, v20;
	v14 =	vld [tilespmem:s24+$0xFFFFFF70]  }
0xe8: {  	v18 =	vld [tilespmem:s23+$0xFFFFFF70];
	(xrf2) =	vadd.scan.msk.f32 $0xffff, v25  }
0xe9: {  	v9 =	vadd.f32 v17, v9;
	v19 =	vld [tilespmem:s24+$0xFFFFFF40];
	v3, _, _ =	vpop (xrf2)  }
0xea: {  	v6 =	vmul.f32 v7, v6;
	v7 =	vmul.f32 v10, v4;
	v17 =	vld [tilespmem:s23+$0xFFFFFF40]  }
0xeb: {  	v20 =	vld [tilespmem:s24+$0xFFFFFF50];
	(xrf2) =	vadd.scan.msk.f32 $0xffff, v9  }
0xec: {  	v22 =	vadd.f32 v7, v6;
	v21 =	vld [tilespmem:s23+$0xFFFFFF50];
	v4, _, _ =	vpop (xrf2)  }
0xed: {  	v7 =	vmul.f32 v24, v11;
	v12 =	vmul.f32 v13, v12;
	v9 =	vld [tilespmem:s23+$0xFFFFFF00]  }
0xee: {  	v10 =	vld [tilespmem:s24+$0xFFFFFF00];
	(xrf2) =	vadd.scan.msk.f32 $0xffff, v22  }
0xef: {  	v23 =	vadd.f32 v12, v7;
	v11 =	vld [tilespmem:s24+$0xFFFFFF10];
	v6, _, _ =	vpop (xrf2)  }
.Ltmp0:
0xf0: {  	v15 =	vmul.f32 v16, v15;
	v16 =	vmul.f32 v18, v14;
	v13 =	vld [tilespmem:s23+$0xFFFFFF10];
	(pc) =	sbr.rel @p0 .LBB2_2-.Ltmp0, $4  }
0xf1: {  	v12 =	vld [tilespmem:s24+$0xFFFFFF20];
	(xrf2) =	vadd.scan.msk.f32 $0xffff, v23  }
0xf2: {  	v22 =	vadd.f32 v16, v15;
	v14 =	vld [tilespmem:s23+$0xFFFFFF20];
	v7, _, _ =	vpop (xrf2)  }
0xf3: {  	v17 =	vmul.f32 v17, v19;
	v18 =	vmul.f32 v21, v20;
	v15 =	vld [tilespmem:s24+$0xFFFFFF30]  }
0xf4: {  	s29 =	sadd.s32 $0x40, s29;
	v16 =	vld [tilespmem:s23+$0xFFFFFF30];
	(xrf2) =	vadd.scan.msk.f32 $0xffff, v22  }
0xf5: {  	v19 =	vld [tilespmem:s23+$0xFFFFFF80]  }
0xf6: {  	v20 =	vld [tilespmem:s24+$0xFFFFFF90]  }
0xf7: {  	v21 =	vld [tilespmem:s23+$0xFFFFFF90]  }
0xf8: {  	v9 =	vmul.f32 v9, v10;
	v61 =	vmul.f32 v13, v11;
	v62 =	vld [tilespmem:s23+$0xFFFFFFE0]  }
0xf9: {  	v63 =	vadd.f32 v18, v17;
	v22 =	vld [tilespmem:s24+$0xFFFFFFF0];
	v12 =	vmul.f32 v14, v12;
	v18 =	vmul.f32 v16, v15  }
0xfa: {  	v23 =	vld [tilespmem:s23+$0xFFFFFFF0];
	v9 =	vadd.f32 v61, v9  }
0xfb: {  	v24 =	vld [tilespmem:s23+$0x40];
	(xrf2) =	vadd.scan.msk.f32 $0xffff, v63;
	v12 =	vadd.f32 v18, v12  }
0xfc: {  	v26 =	vld [tilespmem:s24+$0x50];
	(xrf2) =	vadd.scan.msk.f32 $0xffff, v9;
	v8 =	vmul.f32 v19, v8;
	v25 =	vmul.f32 v21, v20  }
0xfd: {  	v27 =	vld [tilespmem:s23+$0x50];
	(xrf2) =	vadd.scan.msk.f32 $0xffff, v12  }
0xfe: {  	v28 =	vld [tilespmem:s23+$0xA0];
	v8 =	vadd.f32 v25, v8  }
0xff: {  	v29 =	vld [tilespmem:s24+$0xB0];
	v5 =	vmul.f32 v62, v5;
	v10 =	vmul.f32 v23, v22  }
0x100: {  	v30 =	vld [tilespmem:s23+$0xB0];
	(xrf2) =	vadd.scan.msk.f32 $0xffff, v8  }
0x101: {  	v31, _, _ =	vpop (xrf2);
	v32 =	vld [tilespmem:s24+$0xE0];
	v5 =	vadd.f32 v10, v5  }
0x102: {  	v35 =	vld [tilespmem:s23+$0xE0];
	v33, _, _ =	vpop (xrf2);
	v2 =	vmul.f32 v24, v2;
	v34 =	vmul.f32 v27, v26  }
0x103: {  	v37 =	vld [tilespmem:s24+$0xF0];
	v36, _, _ =	vpop (xrf2);
	(xrf2) =	vadd.scan.msk.f32 $0xffff, v5  }
0x104: {  	v39 =	vld [tilespmem:s23+$0xF0];
	v2 =	vadd.f32 v34, v2;
	v38, _, _ =	vpop (xrf2)  }
0x105: {  	v1 =	vmul.f32 v28, v1;
	v41 =	vmul.f32 v30, v29;
	v40, _, _ =	vpop (xrf2)  }
0x106: {  	(xrf2) =	vadd.scan.msk.f32 $0xffff, v2;
	v42, _, _ =	vpop (xrf2)  }
0x107: {  	v43 =	vmul.f32 v35, v32;
	v1 =	vadd.f32 v41, v1;
	v44, _, _ =	vpop (xrf2)  }
0x108: {  	v45 =	vbroadcast v42, $0xF;
	v9 =	vbroadcast v44, $0xF  }
0x109: {  	v47 =	vmul.f32 v39, v37;
	(xrf2) =	vadd.scan.msk.f32 $0xffff, v1;
	v46 =	vbroadcast v40, $0xF  }
0x10a: {  	v5 =	vbroadcast v38, $0xF;
	v49, _, _ =	vpop (xrf2);
	v48 =	vsel vm0, v45, v9  }
0x10b: {  	v2 =	vadd.f32 v47, v43;
	v9 =	vbroadcast v49, $0xF;
	v1 =	vsel vm1, v48, v46  }
0x10c: {  	v50 =	vbroadcast v36, $0xF;
	v1 =	vsel vm2, v1, v5  }
0x10d: {  	v51 =	vbroadcast v33, $0xF;
	v52, _, _ =	vpop (xrf2);
	(xrf2) =	vadd.scan.msk.f32 $0xffff, v2;
	v1 =	vsel vm3, v1, v9  }
0x10e: {  	v53 =	vbroadcast v52, $0xF;
	v1 =	vsel vm4, v1, v50  }
0x10f: {  	v54 =	vbroadcast v31, $0xF;
	v1 =	vsel vm5, v1, v51  }
0x110: {  	v55 =	vbroadcast v7, $0xF;
	v56, _, _ =	vpop (xrf2);
	v1 =	vsel vm6, v1, v53  }
0x111: {  	v57 =	vbroadcast v56, $0xF;
	v1 =	vsel vm7, v1, v54  }
0x112: {  	v58 =	vbroadcast v6, $0xF;
	v1 =	vsel vm8, v1, v55  }
0x113: {  	v4 =	vbroadcast v4, $0xF;
	s30 =	sshra.s32 s26, $0x2;
	v59, _, _ =	vpop (xrf2);
	v1 =	vsel vm9, v1, v57  }
0x114: {  	v61 =	vld [tilespmem:s30+$0x8400];
	v60 =	vbroadcast v59, $0xF;
	v1 =	vsel vm10, v1, v58  }
0x115: {  	v3 =	vbroadcast v3, $0xF;
	v1 =	vsel vm11, v1, v4  }
0x116: {  	v62 =	vld [tilespmem:s30+$0x8600];
	v1 =	vsel vm12, v1, v60  }
0x117: {  	v63, _, _ =	vpop (xrf2);
	v1 =	vsel vm13, v1, v3  }
0x118: {  	v1 =	vsel vm14, v1, v63  }
0x119: {  	v1 =	vadd.f32 v1, v61;
	_ =	sdelay $0x1  }
0x11a: {  	v1 =	vadd.f32 v1, v62;
	_ =	sdelay $0x1  }
0x11b: {  	s22 =	sadd.s32 $0x1, s22;
	v0 =	vadd.f32 v1, v0  }
0x11c: {  	p0 =	sne.s32 s22, s11  }
.Ltmp1:
0x11d: {  	[tilespmem:s30+$0x8810] =	vst v0;
	(pc) =	sbr.rel @p0 .LBB2_1-.Ltmp1, $4  }
0x11e: {  	[hbm4b:s10+s2] =	stream.linear.scatter [tilespmem:s20], [sflag:$0x2], $0x200, $0x38;
	[tilespmem:$0x8A10] =	vst v63  }
0x11f: {  	_ =	swait.ge [sflag:s12], $0x200  }
0x120: {  	[sflag:s12] =	ssyncset.done $0x0  }
0x121: {  	[sflag:s12] =	ssyncadd.s32 $0xFFFFFE00  }
0x122: {  	_ =	sfence.sel $0x180000  }
0x123: {  	[bflag:$0x0] =	sbarrier.arrive $0xFFFF  }
0x124: {  	_ =	strace $0x90000047  }
0x125: {  	s0 =	stileid.u32;
	[bflag:$0x2] =	sbarrier.arrive $0xFFFF  }
0x126: {  	p0 =	sne.s32 s0, $0x0;
	s0 =	rddreg [dreg:$0x4]  }
0x127: {  	s0 =	sadd.s32 @!p0 $0x100000, s0  }
0x128: {  	[sflag:s0] =	ssyncadd.tile.s32 @!p0 $0x1;
	_ =	shalt  }
.Lfunc_end2:
_tile_overlayer_lowered:
.L_overlay_start_2:
0x129: {  	(tag) =	ssettag $0x2  }
0x12a: {  	s0 =	rddreg [dreg:$0x0];
	s2 =	stileid.u32  }
0x12b: {  	s1 =	rddreg [dreg:$0x1];
	p0 =	sne.s32 s2, $0x0  }
0x12c: {  	s3 =	rddreg [dreg:$0x2];
	[bflag:$0x3] =	sbarrier.arrive $0xFFFF;
	s2 =	simm.s32 @!p0 $0x1C02  }
0x12d: {  	[timem:s3], [sflag:s2] =	dma.local @!p0 [hbm:s0], s1  }
0x12e: {  	s0 =	simm.s32 @!p0 $0x2  }
0x12f: {  	_ =	swait.ge @!p0 [sflag:s0], s1  }
0x130: {  	s1 =	ssub.s32 @!p0 $0x0, s1;
	[sflag:s0] =	ssyncset.done @!p0 $0x0  }
0x131: {  	[sflag:s0] =	ssyncadd.s32 @!p0 s1  }
0x132: {  	[bflag:$0x3] =	sbarrier.arrive $0xFFFF  }
0x133: {  	_ =	shalt  }

</sc_bundles>
